<compile_context>
chip_gen: v7x
topology: tpu7x:2x2x1
jax: 0.10.2.dev20260603
libtpu: 0.0.44.dev20260713+nightly
codegen_flags: <defaults>
</compile_context>

<pallas_src>
import functools

import jax
import jax.numpy as jnp
from jax import lax
from jax.experimental import pallas as pl
from jax.experimental.pallas import tpu as pltpu
from jax.experimental.pallas import tpu_sc as plsc

C = 32
V_IN = 163842
V_OUT = 40962
B = 2
EPS = 1e-5
NEG = 0.2

R = 1024
VP = 43008
NB = VP // R
NP = B * VP
NPB = NP // R
VIP = 165888
XB = 2048
NXB = VIP // XB
CH = 128
NCH = NP // CH
SPB = VP // CH
SSL = 384
NW = 32
CPW = NCH // NW
NBO = (V_OUT + R - 1) // R


def _gather7_body(table_hbm, idxc_hbm, out_hbm, idx_v, acc_v, sem):
    wid = lax.axis_index("s") * 2 + lax.axis_index("c")

    zv = jnp.zeros((16,), jnp.float32)

    def zrow(r, carry):
        acc_v[r, pl.ds(0, 16)] = zv
        acc_v[r, pl.ds(16, 16)] = zv
        return carry

    def chunk(c, carry):
        k = wid * CPW + c
        slot = k + jnp.where(k >= SPB, SSL - SPB, 0)
        pltpu.sync_copy(idxc_hbm.at[slot], idx_v)
        lax.fori_loop(0, CH, zrow, 0)
        cps = [
            pltpu.async_copy(table_hbm.at[idx_v.at[j]], acc_v, sem, add=True)
            for j in range(7)
        ]
        for cp in cps:
            cp.wait()
        pltpu.sync_copy(acc_v, out_hbm.at[pl.ds(k * CH, CH)])
        return carry

    lax.fori_loop(0, CPW, chunk, 0)


def _gather7(table, idx_chunks):
    f = functools.partial(
        pl.kernel,
        out_type=jax.ShapeDtypeStruct((NP, C), jnp.float32),
        mesh=plsc.VectorSubcoreMesh(core_axis_name="c", subcore_axis_name="s"),
        scratch_types=[
            pltpu.VMEM((7, CH), jnp.int32),
            pltpu.VMEM((CH, C), jnp.float32),
            pltpu.SemaphoreType.DMA,
        ],
        compiler_params=pltpu.CompilerParams(use_tc_tiling_on_sc=False),
    )(_gather7_body)
    return f(table, idx_chunks)


def _xpose_body(x_ref, e_ref, o_ref):
    xt = lax.dot_general(x_ref[0], e_ref[...], (((0,), (0,)), ((), ())),
                         preferred_element_type=jnp.float32,
                         precision=lax.Precision.HIGHEST)
    q = XB // 4
    o_ref[0] = jnp.concatenate([xt[a * q:(a + 1) * q, :] for a in range(4)],
                               axis=1)


def _xpose(x, eye32):
    return pl.pallas_call(
        _xpose_body,
        grid=(B, NXB),
        in_specs=[
            pl.BlockSpec((1, C, XB), lambda b, i: (b, 0, i)),
            pl.BlockSpec((C, C), lambda b, i: (0, 0)),
        ],
        out_specs=pl.BlockSpec((1, XB // 4, 128), lambda b, i: (b, i, 0)),
        out_shape=jax.ShapeDtypeStruct((B, VIP // 4, 128), jnp.float32),
    )(x, eye32)


def _idx_body(np_ref, nc_ref, ip_ref, ic_ref):
    b = pl.program_id(0)
    i = pl.program_id(1)

    def chunked(x):
        x = x.reshape(8, 8, 128, 7)
        return x.transpose(0, 1, 3, 2).reshape(448, 128)

    rows = lax.broadcasted_iota(jnp.int32, (448, 128), 0)
    lane = lax.broadcasted_iota(jnp.int32, (448, 128), 1)
    s_blk = rows // 7
    j = rows - 7 * s_blk
    v = i * 8192 + s_blk * 128 + lane
    valid = v < V_OUT

    n = chunked(np_ref[...])
    pool = (n & -2048) + ((n & 511) << 2) + ((n >> 9) & 3) + b * VIP
    ip_ref[0, 0] = jnp.where(valid, pool, 0)

    nn = chunked(nc_ref[...]) + b * VP
    u = nn & 1023
    mt = 7 * (u & 3) + j
    conv = ((nn >> 10) * 7168 + (mt >> 2) * 1024 + (u >> 2) * 4 + (mt & 3))
    ic_ref[0, 0] = jnp.where(valid, conv, 0)


def _idx_prep(pool_no, no):
    pad = 48 * 7168 - V_OUT * 7
    npad = jnp.pad(pool_no, (0, pad)).reshape(48, 7168)
    ncad = jnp.pad(no, (0, pad)).reshape(48, 7168)
    out = pl.pallas_call(
        _idx_body,
        grid=(B, 6),
        in_specs=[
            pl.BlockSpec((8, 7168), lambda b, i: (i, 0)),
            pl.BlockSpec((8, 7168), lambda b, i: (i, 0)),
        ],
        out_specs=[
            pl.BlockSpec((1, 1, 448, 128), lambda b, i: (b, i, 0, 0)),
            pl.BlockSpec((1, 1, 448, 128), lambda b, i: (b, i, 0, 0)),
        ],
        out_shape=[
            jax.ShapeDtypeStruct((B, 6, 448, 128), jnp.int32),
            jax.ShapeDtypeStruct((B, 6, 448, 128), jnp.int32),
        ],
    )(npad, ncad)
    return [o.reshape(B * SSL, 7, CH) for o in out]


def _slab(y4):
    return jnp.concatenate([y4[:, m * 128:(m + 1) * 128] for m in range(7)],
                           axis=0)


def _mm_body(h_ref, w_ref, p_ref):
    p_ref[...] = _slab(jnp.dot(h_ref[...], w_ref[...],
                               preferred_element_type=jnp.float32,
                               precision=lax.Precision.HIGHEST))


def _mm(h4, w4):
    return pl.pallas_call(
        _mm_body,
        grid=(NPB,),
        in_specs=[
            pl.BlockSpec((R // 4, 128), lambda i: (i, 0)),
            pl.BlockSpec((128, 4 * 7 * C), lambda i: (0, 0)),
        ],
        out_specs=pl.BlockSpec((7 * R // 4, 128), lambda i: (i, 0)),
        out_shape=jax.ShapeDtypeStruct((7 * NP // 4, 128), jnp.float32),
    )(h4, w4)


SR = VP // 4 // 4


def _stats_body(c_ref, o_ref):
    i = pl.program_id(1)
    x = c_ref[...]
    r4 = lax.broadcasted_iota(jnp.int32, (SR, 128), 0)
    lane = lax.broadcasted_iota(jnp.int32, (SR, 128), 1)
    v = (i * SR + r4) * 4 + lane // C
    xm = jnp.where(v < V_OUT, x, 0.0)
    s1 = jnp.sum(xm, axis=0)[None, :]
    s2 = jnp.sum(xm * xm, axis=0)[None, :]
    blk = jnp.concatenate([s1, s2, jnp.zeros((6, 128), jnp.float32)], axis=0)[None]

    @pl.when(i == 0)
    def _():
        o_ref[...] = blk

    @pl.when(i > 0)
    def _():
        o_ref[...] += blk


def _stats(c4):
    return pl.pallas_call(
        _stats_body,
        grid=(B, 4),
        in_specs=[pl.BlockSpec((SR, 128), lambda b, i: (b * 4 + i, 0))],
        out_specs=pl.BlockSpec((1, 8, 128), lambda b, i: (b, 0, 0)),
        out_shape=jax.ShapeDtypeStruct((B, 8, 128), jnp.float32),
    )(c4)


def _fold4(x):
    return x[:, 0:32] + x[:, 32:64] + x[:, 64:96] + x[:, 96:128]


def _bn_act4(c_ref, s_ref, gb_ref):
    s = s_ref[0]
    mean = _fold4(s[0:1]) / V_OUT
    var = _fold4(s[1:2]) / V_OUT - mean * mean
    scale = gb_ref[0:1, :C] * lax.rsqrt(var + EPS)
    shift = gb_ref[1:2, :C] - mean * scale
    sc4 = jnp.concatenate([scale] * 4, axis=1)
    sh4 = jnp.concatenate([shift] * 4, axis=1)
    h = c_ref[...] * sc4 + sh4
    return jnp.where(h >= 0, h, NEG * h)


def _bnmm_body(c_ref, s_ref, gb_ref, w_ref, p_ref):
    h = _bn_act4(c_ref, s_ref, gb_ref)
    p_ref[...] = _slab(jnp.dot(h, w_ref[...], preferred_element_type=jnp.float32,
                               precision=lax.Precision.HIGHEST))


def _bnmm(c4, s, gb, w4):
    return pl.pallas_call(
        _bnmm_body,
        grid=(B, NB),
        in_specs=[
            pl.BlockSpec((R // 4, 128), lambda b, i: (b * NB + i, 0)),
            pl.BlockSpec((1, 8, 128), lambda b, i: (b, 0, 0)),
            pl.BlockSpec((8, 128), lambda b, i: (0, 0)),
            pl.BlockSpec((128, 4 * 7 * C), lambda b, i: (0, 0)),
        ],
        out_specs=pl.BlockSpec((7 * R // 4, 128), lambda b, i: (b * NB + i, 0)),
        out_shape=jax.ShapeDtypeStruct((7 * NP // 4, 128), jnp.float32),
    )(c4, s, gb, w4)


def _final_body(c_ref, s_ref, gb_ref, o_ref):
    h4 = _bn_act4(c_ref, s_ref, gb_ref)
    parts = [h4[:, a * C:(a + 1) * C].T for a in range(4)]
    o_ref[...] = jnp.stack(parts, axis=-1).reshape(C, R)[None]


def _final(c4, s, gb):
    return pl.pallas_call(
        _final_body,
        grid=(B, NBO),
        in_specs=[
            pl.BlockSpec((R // 4, 128), lambda b, i: (b * NB + i, 0)),
            pl.BlockSpec((1, 8, 128), lambda b, i: (b, 0, 0)),
            pl.BlockSpec((8, 128), lambda b, i: (0, 0)),
        ],
        out_specs=pl.BlockSpec((1, C, R), lambda b, i: (b, 0, i)),
        out_shape=jax.ShapeDtypeStruct((B, C, V_OUT), jnp.float32),
    )(c4, s, gb)


def _pack_gb(g, be):
    return jnp.concatenate(
        [
            jnp.pad(g, (0, 128 - C))[None, :],
            jnp.pad(be, (0, 128 - C))[None, :],
            jnp.zeros((6, 128), jnp.float32),
        ],
        axis=0,
    )


def kernel(x, neigh_orders, pool_neigh_orders, W1, b1, g1, be1, W2, b2, g2, be2):
    w1 = W1.reshape(7, C, C).transpose(1, 0, 2).reshape(C, 7 * C) / 7.0
    w2 = W2.reshape(7, C, C).transpose(1, 0, 2).reshape(C, 7 * C)
    eye4 = jnp.eye(4, dtype=jnp.float32)
    w41 = jnp.kron(eye4, w1)
    w42 = jnp.kron(eye4, w2)
    gb1 = _pack_gb(g1, be1)
    gb2 = _pack_gb(g2, be2)

    eye32 = jnp.eye(C, dtype=jnp.float32)
    xt4 = _xpose(x, eye32)
    ip, ic = _idx_prep(pool_neigh_orders, neigh_orders)

    h0 = _gather7(xt4.reshape(B * VIP, C), ip)
    p1 = _mm(h0.reshape(NP // 4, 128), w41)
    c1 = _gather7(p1.reshape(NP * 7, C), ic)
    c14 = c1.reshape(NP // 4, 128)
    s1 = _stats(c14)
    p2 = _bnmm(c14, s1, gb1, w42)
    c2 = _gather7(p2.reshape(NP * 7, C), ic)
    c24 = c2.reshape(NP // 4, 128)
    s2 = _stats(c24)
    return _final(c24, s2, gb2)

# --- scband reference (transcript-rebuilt; emitter-appended) ---
"""Pipeline reference for scband-down-block-26792005992604 (READ-ONLY COPY).

The authoritative reference and input builder live on the scoring server;
editing this copy changes nothing except your own understanding.
"""

import jax, jax.numpy as jnp
import numpy as np

IN_CH = 32
OUT_CH = 32
V_IN = 163842
V_OUT = 40962
B = 2
EPS = 1e-5
NEG_SLOPE = 0.2


def setup_inputs(seed: int = 0) -> dict:
    key = jax.random.key(seed)
    ks = jax.random.split(key, 12)
    x = jax.random.normal(ks[0], (B, IN_CH, V_IN), dtype=jnp.float32)
    neigh_orders = jax.random.randint(ks[1], (V_OUT * 7,), 0, V_OUT, dtype=jnp.int32)
    pool_neigh_orders = jax.random.randint(ks[2], (V_OUT * 7,), 0, V_IN, dtype=jnp.int32)
    # onering_conv_layer params: linear over concatenated 7-ring neighborhood
    W1 = jax.random.normal(ks[3], (7 * IN_CH, OUT_CH), dtype=jnp.float32) / np.sqrt(7 * IN_CH)
    b1 = jnp.zeros((OUT_CH,), dtype=jnp.float32)
    g1 = jnp.ones((OUT_CH,), dtype=jnp.float32)
    be1 = jnp.zeros((OUT_CH,), dtype=jnp.float32)
    W2 = jax.random.normal(ks[4], (7 * OUT_CH, OUT_CH), dtype=jnp.float32) / np.sqrt(7 * OUT_CH)
    b2 = jnp.zeros((OUT_CH,), dtype=jnp.float32)
    g2 = jnp.ones((OUT_CH,), dtype=jnp.float32)
    be2 = jnp.zeros((OUT_CH,), dtype=jnp.float32)
    return {"x": x, "neigh_orders": neigh_orders, "pool_neigh_orders": pool_neigh_orders,
            "W1": W1, "b1": b1, "g1": g1, "be1": be1,
            "W2": W2, "b2": b2, "g2": g2, "be2": be2}


def _leaky_relu(x):
    return jnp.where(x >= 0, x, NEG_SLOPE * x)


def _batchnorm(x, gamma, beta):
    # BatchNorm1d with track_running_stats=False in train mode:
    # per-channel stats over the vertex (batch) dim, biased variance
    mean = jnp.mean(x, axis=0, keepdims=True)
    var = jnp.var(x, axis=0, keepdims=True)
    return gamma * (x - mean) / jnp.sqrt(var + EPS) + beta


def _onering_conv(x, neigh_orders, W, b):
    # x: (V, Cin); gather 7-ring neighborhood and apply linear
    V = neigh_orders.shape[0] // 7
    mat = jnp.take(x, neigh_orders, axis=0).reshape(V, 7 * x.shape[1])
    return mat @ W + b


def _pool_mean(x, pool_neigh_orders):
    # mean pooling from fine sphere (V_in) to coarse sphere (V_in+6)//4
    num_nodes = (x.shape[0] + 6) // 4
    feat = x.shape[1]
    g = jnp.take(x, pool_neigh_orders[: num_nodes * 7], axis=0).reshape(num_nodes, 7, feat)
    return jnp.mean(g, axis=1)


def reference(x, neigh_orders, pool_neigh_orders, W1, b1, g1, be1, W2, b2, g2, be2):
    def block(xb):  # xb: (C, V_in)
        h = xb.T  # (V_in, C)
        h = _pool_mean(h, pool_neigh_orders)  # (V_out, C)
        h = _onering_conv(h, neigh_orders, W1, b1)
        h = _leaky_relu(_batchnorm(h, g1, be1))
        h = _onering_conv(h, neigh_orders, W2, b2)
        h = _leaky_relu(_batchnorm(h, g2, be2))
        return h.T  # (out_ch, V_out)

    ys = [block(x[b]) for b in range(x.shape[0])]
    return jnp.stack(ys, axis=0)  # (B, out_ch, V_out)

if __name__ == "__main__":
    import jax
    _d = setup_inputs()
    print(jax.jit(kernel)(*tuple(_d.values())))

</pallas_src>

<mosaic_0001>
#map = affine_map<(d0, d1) -> (0, 0)>
#map1 = affine_map<(d0, d1) -> (0, 0, 0)>
module attributes {stable_mosaic.version = 14 : i64} {
  func.func @_gather7_body(%arg0: i32, %arg1: i32, %arg2: memref<602112x32xf32, #tpu.memory_space<hbm>>, %arg3: memref<768x7x128xi32, #tpu.memory_space<hbm>>, %arg4: memref<86016x32xf32, #tpu.memory_space<hbm>>, %arg5: memref<7x128xi32, #tpu.memory_space<vmem>>, %arg6: memref<128x32xf32, #tpu.memory_space<vmem>>, %arg7: memref<!tpu.dma_semaphore, #tpu.memory_space<semaphore_mem>>) attributes {dimension_semantics = [#tpu.dimension_semantics<core_parallel>, #tpu.dimension_semantics<subcore_parallel>], iteration_bounds = array<i64: 2, 16>, scalar_prefetch = 0 : i64, scratch_operands = 3 : i64, tpu.core_type = #tpu.core_type<sc_vector_subcore>, window_params = [{transform_indices = #map}, {transform_indices = #map1}, {transform_indices = #map}]} {
    %mul3A = arith.constant 2 : i32
    %mul3A_0 = arith.muli %arg1, %mul3A : i32
    %add3A = arith.addi %mul3A_0, %arg0 : i32
    %broadcast_in_dim3A = arith.constant 0.000000e+00 : f32
    %broadcast_in_dim3A_1 = vector.broadcast %broadcast_in_dim3A : f32 to vector<16xf32>
    %scan3A = arith.constant 0 : i32
    %scan3A_2 = arith.constant 0 : i32
    %scan3A_3 = arith.constant 21 : i32
    %scan3A_4 = arith.addi %scan3A_2, %scan3A_3 : i32
    %scan3A_5 = arith.constant 1 : i32
    scf.for %scan3A_7 = %scan3A_2 to %scan3A_4 step %scan3A_5  : i32 {
      %mul3A_8 = arith.constant 21 : i32
      %mul3A_9 = arith.muli %add3A, %mul3A_8 : i32
      %add3A_10 = arith.addi %mul3A_9, %scan3A_7 : i32
      %ge3A = arith.constant 336 : i32
      %ge3A_11 = arith.cmpi sge, %add3A_10, %ge3A : i32
      %jit3A = arith.constant 48 : i32
      %jit3A_12 = arith.constant 0 : i32
      %select_n3A = arith.select %ge3A_11, %jit3A, %jit3A_12 : i32
      %add3A_13 = arith.addi %add3A_10, %select_n3A : i32
      "tpu.region"() ({
        %run_scoped3A = tpu.sem_alloc : memref<!tpu.dma_semaphore, #tpu.memory_space<semaphore_mem>>
        %dma_start3A_118 = arith.constant 0 : i32
        %dma_start3A_119 = arith.constant 0 : i32
        %dma_start3A_120 = tpu.memref_slice %arg3[%add3A_13, %dma_start3A_118, %dma_start3A_119] : memref<768x7x128xi32, #tpu.memory_space<hbm>> -> memref<1x7x128xi32, #tpu.memory_space<hbm>>
        %dma_start3A_121 = tpu.memref_squeeze %dma_start3A_120 : memref<1x7x128xi32, #tpu.memory_space<hbm>> -> memref<7x128xi32, #tpu.memory_space<hbm>>
        %dma_start3A_122 = arith.constant 0 : i32
        %dma_start3A_123 = arith.constant 0 : i32
        %dma_start3A_124 = tpu.memref_slice %arg3[%add3A_13, %dma_start3A_122, %dma_start3A_123] : memref<768x7x128xi32, #tpu.memory_space<hbm>> -> memref<1x7x128xi32, #tpu.memory_space<hbm>>
        %dma_start3A_125 = tpu.memref_squeeze %dma_start3A_124 : memref<1x7x128xi32, #tpu.memory_space<hbm>> -> memref<7x128xi32, #tpu.memory_space<hbm>>
        tpu.enqueue_dma source(%dma_start3A_125 : memref<7x128xi32, #tpu.memory_space<hbm>>) target(%arg5 : memref<7x128xi32, #tpu.memory_space<vmem>>) target_semaphore(%run_scoped3A : memref<!tpu.dma_semaphore, #tpu.memory_space<semaphore_mem>>)
        %dma_wait3A_126 = arith.constant 0 : i32
        %dma_wait3A_127 = arith.constant 0 : i32
        %dma_wait3A_128 = tpu.memref_slice %arg3[%add3A_13, %dma_wait3A_126, %dma_wait3A_127] : memref<768x7x128xi32, #tpu.memory_space<hbm>> -> memref<1x7x128xi32, #tpu.memory_space<hbm>>
        %dma_wait3A_129 = tpu.memref_squeeze %dma_wait3A_128 : memref<1x7x128xi32, #tpu.memory_space<hbm>> -> memref<7x128xi32, #tpu.memory_space<hbm>>
        %dma_wait3A_130 = arith.constant 0 : i32
        %dma_wait3A_131 = arith.constant 0 : i32
        %dma_wait3A_132 = tpu.memref_slice %arg3[%add3A_13, %dma_wait3A_130, %dma_wait3A_131] : memref<768x7x128xi32, #tpu.memory_space<hbm>> -> memref<1x7x128xi32, #tpu.memory_space<hbm>>
        %dma_wait3A_133 = tpu.memref_squeeze %dma_wait3A_132 : memref<1x7x128xi32, #tpu.memory_space<hbm>> -> memref<7x128xi32, #tpu.memory_space<hbm>>
        tpu.wait_dma2 semaphore(%run_scoped3A : memref<!tpu.dma_semaphore, #tpu.memory_space<semaphore_mem>>) src(%dma_wait3A_133 : memref<7x128xi32, #tpu.memory_space<hbm>>) dst(%arg5 : memref<7x128xi32, #tpu.memory_space<vmem>>)
        tpu.yield
      }) : () -> ()
      %scan3A_14 = arith.constant 0 : i32
      %scan3A_15 = arith.constant 0 : i32
      %scan3A_16 = arith.constant 128 : i32
      %scan3A_17 = arith.addi %scan3A_15, %scan3A_16 : i32
      %scan3A_18 = arith.constant 1 : i32
      scf.for %scan3A_118 = %scan3A_15 to %scan3A_17 step %scan3A_18  : i32 {
        %swap3A = arith.index_cast %scan3A_118 : i32 to index
        %swap3A_119 = arith.constant 0 : index
        %swap3A_120 = tpu.vector_load %arg6[%swap3A, %swap3A_119] {strides = array<i32>} : memref<128x32xf32, #tpu.memory_space<vmem>>, vector<1x16xf32>,
        %swap3A_121 = vector.shape_cast %swap3A_120 : vector<1x16xf32> to vector<16xf32>
        %swap3A_122 = vector.shape_cast %broadcast_in_dim3A_1 : vector<16xf32> to vector<1x16xf32>
        tpu.vector_store %arg6[%swap3A, %swap3A_119], %swap3A_122 {strides = array<i32>} : memref<128x32xf32, #tpu.memory_space<vmem>>, vector<1x16xf32>,
        %swap3A_123 = arith.index_cast %scan3A_118 : i32 to index
        %swap3A_124 = arith.constant 16 : index
        %swap3A_125 = tpu.vector_load %arg6[%swap3A_123, %swap3A_124] {strides = array<i32>} : memref<128x32xf32, #tpu.memory_space<vmem>>, vector<1x16xf32>,
        %swap3A_126 = vector.shape_cast %swap3A_125 : vector<1x16xf32> to vector<16xf32>
        %swap3A_127 = vector.shape_cast %broadcast_in_dim3A_1 : vector<16xf32> to vector<1x16xf32>
        tpu.vector_store %arg6[%swap3A_123, %swap3A_124], %swap3A_127 {strides = array<i32>} : memref<128x32xf32, #tpu.memory_space<vmem>>, vector<1x16xf32>,
      }
      %scan3A_19 = arith.constant 128 : i32
      %dma_start3A = arith.constant 0 : i32
      %dma_start3A_20 = arith.constant 0 : i32
      %dma_start3A_21 = tpu.memref_slice %arg5[%dma_start3A, %dma_start3A_20] : memref<7x128xi32, #tpu.memory_space<vmem>> -> memref<1x128xi32, #tpu.memory_space<vmem>>
      %dma_start3A_22 = tpu.memref_squeeze %dma_start3A_21 : memref<1x128xi32, #tpu.memory_space<vmem>> -> memref<128xi32, #tpu.memory_space<vmem>>
      %dma_start3A_23 = arith.constant 0 : i32
      %dma_start3A_24 = arith.constant 0 : i32
      %dma_start3A_25 = tpu.memref_slice %arg2[%dma_start3A_23, %dma_start3A_24] : memref<602112x32xf32, #tpu.memory_space<hbm>> -> memref<602112x32xf32, #tpu.memory_space<hbm>>
      tpu.enqueue_indirect_dma source(%dma_start3A_25 : memref<602112x32xf32, #tpu.memory_space<hbm>>) target(%arg6 : memref<128x32xf32, #tpu.memory_space<vmem>>) offsets(%dma_start3A_22 : memref<128xi32, #tpu.memory_space<vmem>>) semaphore(%arg7 : memref<!tpu.dma_semaphore, #tpu.memory_space<semaphore_mem>>) {add = true}
      %dma_start3A_26 = arith.constant 1 : i32
      %dma_start3A_27 = arith.constant 0 : i32
      %dma_start3A_28 = tpu.memref_slice %arg5[%dma_start3A_26, %dma_start3A_27] : memref<7x128xi32, #tpu.memory_space<vmem>> -> memref<1x128xi32, #tpu.memory_space<vmem>>
      %dma_start3A_29 = tpu.memref_squeeze %dma_start3A_28 : memref<1x128xi32, #tpu.memory_space<vmem>> -> memref<128xi32, #tpu.memory_space<vmem>>
      %dma_start3A_30 = arith.constant 0 : i32
      %dma_start3A_31 = arith.constant 0 : i32
      %dma_start3A_32 = tpu.memref_slice %arg2[%dma_start3A_30, %dma_start3A_31] : memref<602112x32xf32, #tpu.memory_space<hbm>> -> memref<602112x32xf32, #tpu.memory_space<hbm>>
      tpu.enqueue_indirect_dma source(%dma_start3A_32 : memref<602112x32xf32, #tpu.memory_space<hbm>>) target(%arg6 : memref<128x32xf32, #tpu.memory_space<vmem>>) offsets(%dma_start3A_29 : memref<128xi32, #tpu.memory_space<vmem>>) semaphore(%arg7 : memref<!tpu.dma_semaphore, #tpu.memory_space<semaphore_mem>>) {add = true}
      %dma_start3A_33 = arith.constant 2 : i32
      %dma_start3A_34 = arith.constant 0 : i32
      %dma_start3A_35 = tpu.memref_slice %arg5[%dma_start3A_33, %dma_start3A_34] : memref<7x128xi32, #tpu.memory_space<vmem>> -> memref<1x128xi32, #tpu.memory_space<vmem>>
      %dma_start3A_36 = tpu.memref_squeeze %dma_start3A_35 : memref<1x128xi32, #tpu.memory_space<vmem>> -> memref<128xi32, #tpu.memory_space<vmem>>
      %dma_start3A_37 = arith.constant 0 : i32
      %dma_start3A_38 = arith.constant 0 : i32
      %dma_start3A_39 = tpu.memref_slice %arg2[%dma_start3A_37, %dma_start3A_38] : memref<602112x32xf32, #tpu.memory_space<hbm>> -> memref<602112x32xf32, #tpu.memory_space<hbm>>
      tpu.enqueue_indirect_dma source(%dma_start3A_39 : memref<602112x32xf32, #tpu.memory_space<hbm>>) target(%arg6 : memref<128x32xf32, #tpu.memory_space<vmem>>) offsets(%dma_start3A_36 : memref<128xi32, #tpu.memory_space<vmem>>) semaphore(%arg7 : memref<!tpu.dma_semaphore, #tpu.memory_space<semaphore_mem>>) {add = true}
      %dma_start3A_40 = arith.constant 3 : i32
      %dma_start3A_41 = arith.constant 0 : i32
      %dma_start3A_42 = tpu.memref_slice %arg5[%dma_start3A_40, %dma_start3A_41] : memref<7x128xi32, #tpu.memory_space<vmem>> -> memref<1x128xi32, #tpu.memory_space<vmem>>
      %dma_start3A_43 = tpu.memref_squeeze %dma_start3A_42 : memref<1x128xi32, #tpu.memory_space<vmem>> -> memref<128xi32, #tpu.memory_space<vmem>>
      %dma_start3A_44 = arith.constant 0 : i32
      %dma_start3A_45 = arith.constant 0 : i32
      %dma_start3A_46 = tpu.memref_slice %arg2[%dma_start3A_44, %dma_start3A_45] : memref<602112x32xf32, #tpu.memory_space<hbm>> -> memref<602112x32xf32, #tpu.memory_space<hbm>>
      tpu.enqueue_indirect_dma source(%dma_start3A_46 : memref<602112x32xf32, #tpu.memory_space<hbm>>) target(%arg6 : memref<128x32xf32, #tpu.memory_space<vmem>>) offsets(%dma_start3A_43 : memref<128xi32, #tpu.memory_space<vmem>>) semaphore(%arg7 : memref<!tpu.dma_semaphore, #tpu.memory_space<semaphore_mem>>) {add = true}
      %dma_start3A_47 = arith.constant 4 : i32
      %dma_start3A_48 = arith.constant 0 : i32
      %dma_start3A_49 = tpu.memref_slice %arg5[%dma_start3A_47, %dma_start3A_48] : memref<7x128xi32, #tpu.memory_space<vmem>> -> memref<1x128xi32, #tpu.memory_space<vmem>>
      %dma_start3A_50 = tpu.memref_squeeze %dma_start3A_49 : memref<1x128xi32, #tpu.memory_space<vmem>> -> memref<128xi32, #tpu.memory_space<vmem>>
      %dma_start3A_51 = arith.constant 0 : i32
      %dma_start3A_52 = arith.constant 0 : i32
      %dma_start3A_53 = tpu.memref_slice %arg2[%dma_start3A_51, %dma_start3A_52] : memref<602112x32xf32, #tpu.memory_space<hbm>> -> memref<602112x32xf32, #tpu.memory_space<hbm>>
      tpu.enqueue_indirect_dma source(%dma_start3A_53 : memref<602112x32xf32, #tpu.memory_space<hbm>>) target(%arg6 : memref<128x32xf32, #tpu.memory_space<vmem>>) offsets(%dma_start3A_50 : memref<128xi32, #tpu.memory_space<vmem>>) semaphore(%arg7 : memref<!tpu.dma_semaphore, #tpu.memory_space<semaphore_mem>>) {add = true}
      %dma_start3A_54 = arith.constant 5 : i32
      %dma_start3A_55 = arith.constant 0 : i32
      %dma_start3A_56 = tpu.memref_slice %arg5[%dma_start3A_54, %dma_start3A_55] : memref<7x128xi32, #tpu.memory_space<vmem>> -> memref<1x128xi32, #tpu.memory_space<vmem>>
      %dma_start3A_57 = tpu.memref_squeeze %dma_start3A_56 : memref<1x128xi32, #tpu.memory_space<vmem>> -> memref<128xi32, #tpu.memory_space<vmem>>
      %dma_start3A_58 = arith.constant 0 : i32
      %dma_start3A_59 = arith.constant 0 : i32
      %dma_start3A_60 = tpu.memref_slice %arg2[%dma_start3A_58, %dma_start3A_59] : memref<602112x32xf32, #tpu.memory_space<hbm>> -> memref<602112x32xf32, #tpu.memory_space<hbm>>
      tpu.enqueue_indirect_dma source(%dma_start3A_60 : memref<602112x32xf32, #tpu.memory_space<hbm>>) target(%arg6 : memref<128x32xf32, #tpu.memory_space<vmem>>) offsets(%dma_start3A_57 : memref<128xi32, #tpu.memory_space<vmem>>) semaphore(%arg7 : memref<!tpu.dma_semaphore, #tpu.memory_space<semaphore_mem>>) {add = true}
      %dma_start3A_61 = arith.constant 6 : i32
      %dma_start3A_62 = arith.constant 0 : i32
      %dma_start3A_63 = tpu.memref_slice %arg5[%dma_start3A_61, %dma_start3A_62] : memref<7x128xi32, #tpu.memory_space<vmem>> -> memref<1x128xi32, #tpu.memory_space<vmem>>
      %dma_start3A_64 = tpu.memref_squeeze %dma_start3A_63 : memref<1x128xi32, #tpu.memory_space<vmem>> -> memref<128xi32, #tpu.memory_space<vmem>>
      %dma_start3A_65 = arith.constant 0 : i32
      %dma_start3A_66 = arith.constant 0 : i32
      %dma_start3A_67 = tpu.memref_slice %arg2[%dma_start3A_65, %dma_start3A_66] : memref<602112x32xf32, #tpu.memory_space<hbm>> -> memref<602112x32xf32, #tpu.memory_space<hbm>>
      tpu.enqueue_indirect_dma source(%dma_start3A_67 : memref<602112x32xf32, #tpu.memory_space<hbm>>) target(%arg6 : memref<128x32xf32, #tpu.memory_space<vmem>>) offsets(%dma_start3A_64 : memref<128xi32, #tpu.memory_space<vmem>>) semaphore(%arg7 : memref<!tpu.dma_semaphore, #tpu.memory_space<semaphore_mem>>) {add = true}
      %dma_wait3A = arith.constant 0 : i32
      %dma_wait3A_68 = arith.constant 0 : i32
      %dma_wait3A_69 = tpu.memref_slice %arg5[%dma_wait3A, %dma_wait3A_68] : memref<7x128xi32, #tpu.memory_space<vmem>> -> memref<1x128xi32, #tpu.memory_space<vmem>>
      %dma_wait3A_70 = tpu.memref_squeeze %dma_wait3A_69 : memref<1x128xi32, #tpu.memory_space<vmem>> -> memref<128xi32, #tpu.memory_space<vmem>>
      %dma_wait3A_71 = arith.constant 0 : i32
      %dma_wait3A_72 = arith.constant 0 : i32
      %dma_wait3A_73 = tpu.memref_slice %arg2[%dma_wait3A_71, %dma_wait3A_72] : memref<602112x32xf32, #tpu.memory_space<hbm>> -> memref<602112x32xf32, #tpu.memory_space<hbm>>
      tpu.wait_indirect_dma semaphore(%arg7 : memref<!tpu.dma_semaphore, #tpu.memory_space<semaphore_mem>>) src(%dma_wait3A_73 : memref<602112x32xf32, #tpu.memory_space<hbm>>) dst(%arg6 : memref<128x32xf32, #tpu.memory_space<vmem>>)
      %dma_wait3A_74 = arith.constant 1 : i32
      %dma_wait3A_75 = arith.constant 0 : i32
      %dma_wait3A_76 = tpu.memref_slice %arg5[%dma_wait3A_74, %dma_wait3A_75] : memref<7x128xi32, #tpu.memory_space<vmem>> -> memref<1x128xi32, #tpu.memory_space<vmem>>
      %dma_wait3A_77 = tpu.memref_squeeze %dma_wait3A_76 : memref<1x128xi32, #tpu.memory_space<vmem>> -> memref<128xi32, #tpu.memory_space<vmem>>
      %dma_wait3A_78 = arith.constant 0 : i32
      %dma_wait3A_79 = arith.constant 0 : i32
      %dma_wait3A_80 = tpu.memref_slice %arg2[%dma_wait3A_78, %dma_wait3A_79] : memref<602112x32xf32, #tpu.memory_space<hbm>> -> memref<602112x32xf32, #tpu.memory_space<hbm>>
      tpu.wait_indirect_dma semaphore(%arg7 : memref<!tpu.dma_semaphore, #tpu.memory_space<semaphore_mem>>) src(%dma_wait3A_80 : memref<602112x32xf32, #tpu.memory_space<hbm>>) dst(%arg6 : memref<128x32xf32, #tpu.memory_space<vmem>>)
      %dma_wait3A_81 = arith.constant 2 : i32
      %dma_wait3A_82 = arith.constant 0 : i32
      %dma_wait3A_83 = tpu.memref_slice %arg5[%dma_wait3A_81, %dma_wait3A_82] : memref<7x128xi32, #tpu.memory_space<vmem>> -> memref<1x128xi32, #tpu.memory_space<vmem>>
      %dma_wait3A_84 = tpu.memref_squeeze %dma_wait3A_83 : memref<1x128xi32, #tpu.memory_space<vmem>> -> memref<128xi32, #tpu.memory_space<vmem>>
      %dma_wait3A_85 = arith.constant 0 : i32
      %dma_wait3A_86 = arith.constant 0 : i32
      %dma_wait3A_87 = tpu.memref_slice %arg2[%dma_wait3A_85, %dma_wait3A_86] : memref<602112x32xf32, #tpu.memory_space<hbm>> -> memref<602112x32xf32, #tpu.memory_space<hbm>>
      tpu.wait_indirect_dma semaphore(%arg7 : memref<!tpu.dma_semaphore, #tpu.memory_space<semaphore_mem>>) src(%dma_wait3A_87 : memref<602112x32xf32, #tpu.memory_space<hbm>>) dst(%arg6 : memref<128x32xf32, #tpu.memory_space<vmem>>)
      %dma_wait3A_88 = arith.constant 3 : i32
      %dma_wait3A_89 = arith.constant 0 : i32
      %dma_wait3A_90 = tpu.memref_slice %arg5[%dma_wait3A_88, %dma_wait3A_89] : memref<7x128xi32, #tpu.memory_space<vmem>> -> memref<1x128xi32, #tpu.memory_space<vmem>>
      %dma_wait3A_91 = tpu.memref_squeeze %dma_wait3A_90 : memref<1x128xi32, #tpu.memory_space<vmem>> -> memref<128xi32, #tpu.memory_space<vmem>>
      %dma_wait3A_92 = arith.constant 0 : i32
      %dma_wait3A_93 = arith.constant 0 : i32
      %dma_wait3A_94 = tpu.memref_slice %arg2[%dma_wait3A_92, %dma_wait3A_93] : memref<602112x32xf32, #tpu.memory_space<hbm>> -> memref<602112x32xf32, #tpu.memory_space<hbm>>
      tpu.wait_indirect_dma semaphore(%arg7 : memref<!tpu.dma_semaphore, #tpu.memory_space<semaphore_mem>>) src(%dma_wait3A_94 : memref<602112x32xf32, #tpu.memory_space<hbm>>) dst(%arg6 : memref<128x32xf32, #tpu.memory_space<vmem>>)
      %dma_wait3A_95 = arith.constant 4 : i32
      %dma_wait3A_96 = arith.constant 0 : i32
      %dma_wait3A_97 = tpu.memref_slice %arg5[%dma_wait3A_95, %dma_wait3A_96] : memref<7x128xi32, #tpu.memory_space<vmem>> -> memref<1x128xi32, #tpu.memory_space<vmem>>
      %dma_wait3A_98 = tpu.memref_squeeze %dma_wait3A_97 : memref<1x128xi32, #tpu.memory_space<vmem>> -> memref<128xi32, #tpu.memory_space<vmem>>
      %dma_wait3A_99 = arith.constant 0 : i32
      %dma_wait3A_100 = arith.constant 0 : i32
      %dma_wait3A_101 = tpu.memref_slice %arg2[%dma_wait3A_99, %dma_wait3A_100] : memref<602112x32xf32, #tpu.memory_space<hbm>> -> memref<602112x32xf32, #tpu.memory_space<hbm>>
      tpu.wait_indirect_dma semaphore(%arg7 : memref<!tpu.dma_semaphore, #tpu.memory_space<semaphore_mem>>) src(%dma_wait3A_101 : memref<602112x32xf32, #tpu.memory_space<hbm>>) dst(%arg6 : memref<128x32xf32, #tpu.memory_space<vmem>>)
      %dma_wait3A_102 = arith.constant 5 : i32
      %dma_wait3A_103 = arith.constant 0 : i32
      %dma_wait3A_104 = tpu.memref_slice %arg5[%dma_wait3A_102, %dma_wait3A_103] : memref<7x128xi32, #tpu.memory_space<vmem>> -> memref<1x128xi32, #tpu.memory_space<vmem>>
      %dma_wait3A_105 = tpu.memref_squeeze %dma_wait3A_104 : memref<1x128xi32, #tpu.memory_space<vmem>> -> memref<128xi32, #tpu.memory_space<vmem>>
      %dma_wait3A_106 = arith.constant 0 : i32
      %dma_wait3A_107 = arith.constant 0 : i32
      %dma_wait3A_108 = tpu.memref_slice %arg2[%dma_wait3A_106, %dma_wait3A_107] : memref<602112x32xf32, #tpu.memory_space<hbm>> -> memref<602112x32xf32, #tpu.memory_space<hbm>>
      tpu.wait_indirect_dma semaphore(%arg7 : memref<!tpu.dma_semaphore, #tpu.memory_space<semaphore_mem>>) src(%dma_wait3A_108 : memref<602112x32xf32, #tpu.memory_space<hbm>>) dst(%arg6 : memref<128x32xf32, #tpu.memory_space<vmem>>)
      %dma_wait3A_109 = arith.constant 6 : i32
      %dma_wait3A_110 = arith.constant 0 : i32
      %dma_wait3A_111 = tpu.memref_slice %arg5[%dma_wait3A_109, %dma_wait3A_110] : memref<7x128xi32, #tpu.memory_space<vmem>> -> memref<1x128xi32, #tpu.memory_space<vmem>>
      %dma_wait3A_112 = tpu.memref_squeeze %dma_wait3A_111 : memref<1x128xi32, #tpu.memory_space<vmem>> -> memref<128xi32, #tpu.memory_space<vmem>>
      %dma_wait3A_113 = arith.constant 0 : i32
      %dma_wait3A_114 = arith.constant 0 : i32
      %dma_wait3A_115 = tpu.memref_slice %arg2[%dma_wait3A_113, %dma_wait3A_114] : memref<602112x32xf32, #tpu.memory_space<hbm>> -> memref<602112x32xf32, #tpu.memory_space<hbm>>
      tpu.wait_indirect_dma semaphore(%arg7 : memref<!tpu.dma_semaphore, #tpu.memory_space<semaphore_mem>>) src(%dma_wait3A_115 : memref<602112x32xf32, #tpu.memory_space<hbm>>) dst(%arg6 : memref<128x32xf32, #tpu.memory_space<vmem>>)
      %mul3A_116 = arith.constant 128 : i32
      %mul3A_117 = arith.muli %add3A_10, %mul3A_116 : i32
      "tpu.region"() ({
        %run_scoped3A = tpu.sem_alloc : memref<!tpu.dma_semaphore, #tpu.memory_space<semaphore_mem>>
        %dma_start3A_118 = arith.constant 0 : i32
        %dma_start3A_119 = tpu.memref_slice %arg4[%mul3A_117, %dma_start3A_118] : memref<86016x32xf32, #tpu.memory_space<hbm>> -> memref<128x32xf32, #tpu.memory_space<hbm>>
        %dma_start3A_120 = arith.constant 0 : i32
        %dma_start3A_121 = tpu.memref_slice %arg4[%mul3A_117, %dma_start3A_120] : memref<86016x32xf32, #tpu.memory_space<hbm>> -> memref<128x32xf32, #tpu.memory_space<hbm>>
        tpu.enqueue_dma source(%arg6 : memref<128x32xf32, #tpu.memory_space<vmem>>) target(%dma_start3A_121 : memref<128x32xf32, #tpu.memory_space<hbm>>) target_semaphore(%run_scoped3A : memref<!tpu.dma_semaphore, #tpu.memory_space<semaphore_mem>>)
        %dma_wait3A_122 = arith.constant 0 : i32
        %dma_wait3A_123 = tpu.memref_slice %arg4[%mul3A_117, %dma_wait3A_122] : memref<86016x32xf32, #tpu.memory_space<hbm>> -> memref<128x32xf32, #tpu.memory_space<hbm>>
        %dma_wait3A_124 = arith.constant 0 : i32
        %dma_wait3A_125 = tpu.memref_slice %arg4[%mul3A_117, %dma_wait3A_124] : memref<86016x32xf32, #tpu.memory_space<hbm>> -> memref<128x32xf32, #tpu.memory_space<hbm>>
        tpu.wait_dma2 semaphore(%run_scoped3A : memref<!tpu.dma_semaphore, #tpu.memory_space<semaphore_mem>>) src(%arg6 : memref<128x32xf32, #tpu.memory_space<vmem>>) dst(%dma_wait3A_125 : memref<128x32xf32, #tpu.memory_space<hbm>>)
        tpu.yield
      }) : () -> ()
    }
    %scan3A_6 = arith.constant 21 : i32
    return
  }
}

#map = affine_map<(d0, d1) -> (0, 0)>
#map1 = affine_map<(d0, d1) -> (0, 0, 0)>
module attributes {stable_mosaic.version = 14 : i64} {
  func.func @_gather7_body(%arg0: i32, %arg1: i32, %arg2: memref<602112x32xf32, #tpu.memory_space<hbm>>, %arg3: memref<768x7x128xi32, #tpu.memory_space<hbm>>, %arg4: memref<86016x32xf32, #tpu.memory_space<hbm>>, %arg5: memref<7x128xi32, #tpu.memory_space<vmem>>, %arg6: memref<128x32xf32, #tpu.memory_space<vmem>>, %arg7: memref<!tpu.dma_semaphore, #tpu.memory_space<semaphore_mem>>) attributes {dimension_semantics = [#tpu.dimension_semantics<core_parallel>, #tpu.dimension_semantics<subcore_parallel>], iteration_bounds = array<i64: 2, 16>, scalar_prefetch = 0 : i64, scratch_operands = 3 : i64, tpu.core_type = #tpu.core_type<sc_vector_subcore>, window_params = [{transform_indices = #map}, {transform_indices = #map1}, {transform_indices = #map}]} {
    %mul3A = arith.constant 2 : i32
    %mul3A_0 = arith.muli %arg1, %mul3A : i32
    %add3A = arith.addi %mul3A_0, %arg0 : i32
    %broadcast_in_dim3A = arith.constant 0.000000e+00 : f32
    %broadcast_in_dim3A_1 = vector.broadcast %broadcast_in_dim3A : f32 to vector<16xf32>
    %scan3A = arith.constant 0 : i32
    %scan3A_2 = arith.constant 0 : i32
    %scan3A_3 = arith.constant 21 : i32
    %scan3A_4 = arith.addi %scan3A_2, %scan3A_3 : i32
    %scan3A_5 = arith.constant 1 : i32
    scf.for %scan3A_7 = %scan3A_2 to %scan3A_4 step %scan3A_5  : i32 {
      %mul3A_8 = arith.constant 21 : i32
      %mul3A_9 = arith.muli %add3A, %mul3A_8 : i32
      %add3A_10 = arith.addi %mul3A_9, %scan3A_7 : i32
      %ge3A = arith.constant 336 : i32
      %ge3A_11 = arith.cmpi sge, %add3A_10, %ge3A : i32
      %jit3A = arith.constant 48 : i32
      %jit3A_12 = arith.constant 0 : i32
      %select_n3A = arith.select %ge3A_11, %jit3A, %jit3A_12 : i32
      %add3A_13 = arith.addi %add3A_10, %select_n3A : i32
      "tpu.region"() ({
        %run_scoped3A = tpu.sem_alloc : memref<!tpu.dma_semaphore, #tpu.memory_space<semaphore_mem>>
        %dma_start3A_118 = arith.constant 0 : i32
        %dma_start3A_119 = arith.constant 0 : i32
        %dma_start3A_120 = tpu.memref_slice %arg3[%add3A_13, %dma_start3A_118, %dma_start3A_119] : memref<768x7x128xi32, #tpu.memory_space<hbm>> -> memref<1x7x128xi32, #tpu.memory_space<hbm>>
        %dma_start3A_121 = tpu.memref_squeeze %dma_start3A_120 : memref<1x7x128xi32, #tpu.memory_space<hbm>> -> memref<7x128xi32, #tpu.memory_space<hbm>>
        %dma_start3A_122 = arith.constant 0 : i32
        %dma_start3A_123 = arith.constant 0 : i32
        %dma_start3A_124 = tpu.memref_slice %arg3[%add3A_13, %dma_start3A_122, %dma_start3A_123] : memref<768x7x128xi32, #tpu.memory_space<hbm>> -> memref<1x7x128xi32, #tpu.memory_space<hbm>>
        %dma_start3A_125 = tpu.memref_squeeze %dma_start3A_124 : memref<1x7x128xi32, #tpu.memory_space<hbm>> -> memref<7x128xi32, #tpu.memory_space<hbm>>
        tpu.enqueue_dma source(%dma_start3A_125 : memref<7x128xi32, #tpu.memory_space<hbm>>) target(%arg5 : memref<7x128xi32, #tpu.memory_space<vmem>>) target_semaphore(%run_scoped3A : memref<!tpu.dma_semaphore, #tpu.memory_space<semaphore_mem>>)
        %dma_wait3A_126 = arith.constant 0 : i32
        %dma_wait3A_127 = arith.constant 0 : i32
        %dma_wait3A_128 = tpu.memref_slice %arg3[%add3A_13, %dma_wait3A_126, %dma_wait3A_127] : memref<768x7x128xi32, #tpu.memory_space<hbm>> -> memref<1x7x128xi32, #tpu.memory_space<hbm>>
        %dma_wait3A_129 = tpu.memref_squeeze %dma_wait3A_128 : memref<1x7x128xi32, #tpu.memory_space<hbm>> -> memref<7x128xi32, #tpu.memory_space<hbm>>
        %dma_wait3A_130 = arith.constant 0 : i32
        %dma_wait3A_131 = arith.constant 0 : i32
        %dma_wait3A_132 = tpu.memref_slice %arg3[%add3A_13, %dma_wait3A_130, %dma_wait3A_131] : memref<768x7x128xi32, #tpu.memory_space<hbm>> -> memref<1x7x128xi32, #tpu.memory_space<hbm>>
        %dma_wait3A_133 = tpu.memref_squeeze %dma_wait3A_132 : memref<1x7x128xi32, #tpu.memory_space<hbm>> -> memref<7x128xi32, #tpu.memory_space<hbm>>
        tpu.wait_dma2 semaphore(%run_scoped3A : memref<!tpu.dma_semaphore, #tpu.memory_space<semaphore_mem>>) src(%dma_wait3A_133 : memref<7x128xi32, #tpu.memory_space<hbm>>) dst(%arg5 : memref<7x128xi32, #tpu.memory_space<vmem>>)
        tpu.yield
      }) : () -> ()
      %scan3A_14 = arith.constant 0 : i32
      %scan3A_15 = arith.constant 0 : i32
      %scan3A_16 = arith.constant 128 : i32
      %scan3A_17 = arith.addi %scan3A_15, %scan3A_16 : i32
      %scan3A_18 = arith.constant 1 : i32
      scf.for %scan3A_118 = %scan3A_15 to %scan3A_17 step %scan3A_18  : i32 {
        %swap3A = arith.index_cast %scan3A_118 : i32 to index
        %swap3A_119 = arith.constant 0 : index
        %swap3A_120 = tpu.vector_load %arg6[%swap3A, %swap3A_119] {strides = array<i32>} : memref<128x32xf32, #tpu.memory_space<vmem>>, vector<1x16xf32>,
        %swap3A_121 = vector.shape_cast %swap3A_120 : vector<1x16xf32> to vector<16xf32>
        %swap3A_122 = vector.shape_cast %broadcast_in_dim3A_1 : vector<16xf32> to vector<1x16xf32>
        tpu.vector_store %arg6[%swap3A, %swap3A_119], %swap3A_122 {strides = array<i32>} : memref<128x32xf32, #tpu.memory_space<vmem>>, vector<1x16xf32>,
        %swap3A_123 = arith.index_cast %scan3A_118 : i32 to index
        %swap3A_124 = arith.constant 16 : index
        %swap3A_125 = tpu.vector_load %arg6[%swap3A_123, %swap3A_124] {strides = array<i32>} : memref<128x32xf32, #tpu.memory_space<vmem>>, vector<1x16xf32>,
        %swap3A_126 = vector.shape_cast %swap3A_125 : vector<1x16xf32> to vector<16xf32>
        %swap3A_127 = vector.shape_cast %broadcast_in_dim3A_1 : vector<16xf32> to vector<1x16xf32>
        tpu.vector_store %arg6[%swap3A_123, %swap3A_124], %swap3A_127 {strides = array<i32>} : memref<128x32xf32, #tpu.memory_space<vmem>>, vector<1x16xf32>,
      }
      %scan3A_19 = arith.constant 128 : i32
      %dma_start3A = arith.constant 0 : i32
      %dma_start3A_20 = arith.constant 0 : i32
      %dma_start3A_21 = tpu.memref_slice %arg5[%dma_start3A, %dma_start3A_20] : memref<7x128xi32, #tpu.memory_space<vmem>> -> memref<1x128xi32, #tpu.memory_space<vmem>>
      %dma_start3A_22 = tpu.memref_squeeze %dma_start3A_21 : memref<1x128xi32, #tpu.memory_space<vmem>> -> memref<128xi32, #tpu.memory_space<vmem>>
      %dma_start3A_23 = arith.constant 0 : i32
      %dma_start3A_24 = arith.constant 0 : i32
      %dma_start3A_25 = tpu.memref_slice %arg2[%dma_start3A_23, %dma_start3A_24] : memref<602112x32xf32, #tpu.memory_space<hbm>> -> memref<602112x32xf32, #tpu.memory_space<hbm>>
      tpu.enqueue_indirect_dma source(%dma_start3A_25 : memref<602112x32xf32, #tpu.memory_space<hbm>>) target(%arg6 : memref<128x32xf32, #tpu.memory_space<vmem>>) offsets(%dma_start3A_22 : memref<128xi32, #tpu.memory_space<vmem>>) semaphore(%arg7 : memref<!tpu.dma_semaphore, #tpu.memory_space<semaphore_mem>>) {add = true}
      %dma_start3A_26 = arith.constant 1 : i32
      %dma_start3A_27 = arith.constant 0 : i32
      %dma_start3A_28 = tpu.memref_slice %arg5[%dma_start3A_26, %dma_start3A_27] : memref<7x128xi32, #tpu.memory_space<vmem>> -> memref<1x128xi32, #tpu.memory_space<vmem>>
      %dma_start3A_29 = tpu.memref_squeeze %dma_start3A_28 : memref<1x128xi32, #tpu.memory_space<vmem>> -> memref<128xi32, #tpu.memory_space<vmem>>
      %dma_start3A_30 = arith.constant 0 : i32
      %dma_start3A_31 = arith.constant 0 : i32
      %dma_start3A_32 = tpu.memref_slice %arg2[%dma_start3A_30, %dma_start3A_31] : memref<602112x32xf32, #tpu.memory_space<hbm>> -> memref<602112x32xf32, #tpu.memory_space<hbm>>
      tpu.enqueue_indirect_dma source(%dma_start3A_32 : memref<602112x32xf32, #tpu.memory_space<hbm>>) target(%arg6 : memref<128x32xf32, #tpu.memory_space<vmem>>) offsets(%dma_start3A_29 : memref<128xi32, #tpu.memory_space<vmem>>) semaphore(%arg7 : memref<!tpu.dma_semaphore, #tpu.memory_space<semaphore_mem>>) {add = true}
      %dma_start3A_33 = arith.constant 2 : i32
      %dma_start3A_34 = arith.constant 0 : i32
      %dma_start3A_35 = tpu.memref_slice %arg5[%dma_start3A_33, %dma_start3A_34] : memref<7x128xi32, #tpu.memory_space<vmem>> -> memref<1x128xi32, #tpu.memory_space<vmem>>
      %dma_start3A_36 = tpu.memref_squeeze %dma_start3A_35 : memref<1x128xi32, #tpu.memory_space<vmem>> -> memref<128xi32, #tpu.memory_space<vmem>>
      %dma_start3A_37 = arith.constant 0 : i32
      %dma_start3A_38 = arith.constant 0 : i32
      %dma_start3A_39 = tpu.memref_slice %arg2[%dma_start3A_37, %dma_start3A_38] : memref<602112x32xf32, #tpu.memory_space<hbm>> -> memref<602112x32xf32, #tpu.memory_space<hbm>>
      tpu.enqueue_indirect_dma source(%dma_start3A_39 : memref<602112x32xf32, #tpu.memory_space<hbm>>) target(%arg6 : memref<128x32xf32, #tpu.memory_space<vmem>>) offsets(%dma_start3A_36 : memref<128xi32, #tpu.memory_space<vmem>>) semaphore(%arg7 : memref<!tpu.dma_semaphore, #tpu.memory_space<semaphore_mem>>) {add = true}
      %dma_start3A_40 = arith.constant 3 : i32
      %dma_start3A_41 = arith.constant 0 : i32
      %dma_start3A_42 = tpu.memref_slice %arg5[%dma_start3A_40, %dma_start3A_41] : memref<7x128xi32, #tpu.memory_space<vmem>> -> memref<1x128xi32, #tpu.memory_space<vmem>>
      %dma_start3A_43 = tpu.memref_squeeze %dma_start3A_42 : memref<1x128xi32, #tpu.memory_space<vmem>> -> memref<128xi32, #tpu.memory_space<vmem>>
      %dma_start3A_44 = arith.constant 0 : i32
      %dma_start3A_45 = arith.constant 0 : i32
      %dma_start3A_46 = tpu.memref_slice %arg2[%dma_start3A_44, %dma_start3A_45] : memref<602112x32xf32, #tpu.memory_space<hbm>> -> memref<602112x32xf32, #tpu.memory_space<hbm>>
      tpu.enqueue_indirect_dma source(%dma_start3A_46 : memref<602112x32xf32, #tpu.memory_space<hbm>>) target(%arg6 : memref<128x32xf32, #tpu.memory_space<vmem>>) offsets(%dma_start3A_43 : memref<128xi32, #tpu.memory_space<vmem>>) semaphore(%arg7 : memref<!tpu.dma_semaphore, #tpu.memory_space<semaphore_mem>>) {add = true}
      %dma_start3A_47 = arith.constant 4 : i32
      %dma_start3A_48 = arith.constant 0 : i32
      %dma_start3A_49 = tpu.memref_slice %arg5[%dma_start3A_47, %dma_start3A_48] : memref<7x128xi32, #tpu.memory_space<vmem>> -> memref<1x128xi32, #tpu.memory_space<vmem>>
      %dma_start3A_50 = tpu.memref_squeeze %dma_start3A_49 : memref<1x128xi32, #tpu.memory_space<vmem>> -> memref<128xi32, #tpu.memory_space<vmem>>
      %dma_start3A_51 = arith.constant 0 : i32
      %dma_start3A_52 = arith.constant 0 : i32
      %dma_start3A_53 = tpu.memref_slice %arg2[%dma_start3A_51, %dma_start3A_52] : memref<602112x32xf32, #tpu.memory_space<hbm>> -> memref<602112x32xf32, #tpu.memory_space<hbm>>
      tpu.enqueue_indirect_dma source(%dma_start3A_53 : memref<602112x32xf32, #tpu.memory_space<hbm>>) target(%arg6 : memref<128x32xf32, #tpu.memory_space<vmem>>) offsets(%dma_start3A_50 : memref<128xi32, #tpu.memory_space<vmem>>) semaphore(%arg7 : memref<!tpu.dma_semaphore, #tpu.memory_space<semaphore_mem>>) {add = true}
      %dma_start3A_54 = arith.constant 5 : i32
      %dma_start3A_55 = arith.constant 0 : i32
      %dma_start3A_56 = tpu.memref_slice %arg5[%dma_start3A_54, %dma_start3A_55] : memref<7x128xi32, #tpu.memory_space<vmem>> -> memref<1x128xi32, #tpu.memory_space<vmem>>
      %dma_start3A_57 = tpu.memref_squeeze %dma_start3A_56 : memref<1x128xi32, #tpu.memory_space<vmem>> -> memref<128xi32, #tpu.memory_space<vmem>>
      %dma_start3A_58 = arith.constant 0 : i32
      %dma_start3A_59 = arith.constant 0 : i32
      %dma_start3A_60 = tpu.memref_slice %arg2[%dma_start3A_58, %dma_start3A_59] : memref<602112x32xf32, #tpu.memory_space<hbm>> -> memref<602112x32xf32, #tpu.memory_space<hbm>>
      tpu.enqueue_indirect_dma source(%dma_start3A_60 : memref<602112x32xf32, #tpu.memory_space<hbm>>) target(%arg6 : memref<128x32xf32, #tpu.memory_space<vmem>>) offsets(%dma_start3A_57 : memref<128xi32, #tpu.memory_space<vmem>>) semaphore(%arg7 : memref<!tpu.dma_semaphore, #tpu.memory_space<semaphore_mem>>) {add = true}
      %dma_start3A_61 = arith.constant 6 : i32
      %dma_start3A_62 = arith.constant 0 : i32
      %dma_start3A_63 = tpu.memref_slice %arg5[%dma_start3A_61, %dma_start3A_62] : memref<7x128xi32, #tpu.memory_space<vmem>> -> memref<1x128xi32, #tpu.memory_space<vmem>>
      %dma_start3A_64 = tpu.memref_squeeze %dma_start3A_63 : memref<1x128xi32, #tpu.memory_space<vmem>> -> memref<128xi32, #tpu.memory_space<vmem>>
      %dma_start3A_65 = arith.constant 0 : i32
      %dma_start3A_66 = arith.constant 0 : i32
      %dma_start3A_67 = tpu.memref_slice %arg2[%dma_start3A_65, %dma_start3A_66] : memref<602112x32xf32, #tpu.memory_space<hbm>> -> memref<602112x32xf32, #tpu.memory_space<hbm>>
      tpu.enqueue_indirect_dma source(%dma_start3A_67 : memref<602112x32xf32, #tpu.memory_space<hbm>>) target(%arg6 : memref<128x32xf32, #tpu.memory_space<vmem>>) offsets(%dma_start3A_64 : memref<128xi32, #tpu.memory_space<vmem>>) semaphore(%arg7 : memref<!tpu.dma_semaphore, #tpu.memory_space<semaphore_mem>>) {add = true}
      %dma_wait3A = arith.constant 0 : i32
      %dma_wait3A_68 = arith.constant 0 : i32
      %dma_wait3A_69 = tpu.memref_slice %arg5[%dma_wait3A, %dma_wait3A_68] : memref<7x128xi32, #tpu.memory_space<vmem>> -> memref<1x128xi32, #tpu.memory_space<vmem>>
      %dma_wait3A_70 = tpu.memref_squeeze %dma_wait3A_69 : memref<1x128xi32, #tpu.memory_space<vmem>> -> memref<128xi32, #tpu.memory_space<vmem>>
      %dma_wait3A_71 = arith.constant 0 : i32
      %dma_wait3A_72 = arith.constant 0 : i32
      %dma_wait3A_73 = tpu.memref_slice %arg2[%dma_wait3A_71, %dma_wait3A_72] : memref<602112x32xf32, #tpu.memory_space<hbm>> -> memref<602112x32xf32, #tpu.memory_space<hbm>>
      tpu.wait_indirect_dma semaphore(%arg7 : memref<!tpu.dma_semaphore, #tpu.memory_space<semaphore_mem>>) src(%dma_wait3A_73 : memref<602112x32xf32, #tpu.memory_space<hbm>>) dst(%arg6 : memref<128x32xf32, #tpu.memory_space<vmem>>)
      %dma_wait3A_74 = arith.constant 1 : i32
      %dma_wait3A_75 = arith.constant 0 : i32
      %dma_wait3A_76 = tpu.memref_slice %arg5[%dma_wait3A_74, %dma_wait3A_75] : memref<7x128xi32, #tpu.memory_space<vmem>> -> memref<1x128xi32, #tpu.memory_space<vmem>>
      %dma_wait3A_77 = tpu.memref_squeeze %dma_wait3A_76 : memref<1x128xi32, #tpu.memory_space<vmem>> -> memref<128xi32, #tpu.memory_space<vmem>>
      %dma_wait3A_78 = arith.constant 0 : i32
      %dma_wait3A_79 = arith.constant 0 : i32
      %dma_wait3A_80 = tpu.memref_slice %arg2[%dma_wait3A_78, %dma_wait3A_79] : memref<602112x32xf32, #tpu.memory_space<hbm>> -> memref<602112x32xf32, #tpu.memory_space<hbm>>
      tpu.wait_indirect_dma semaphore(%arg7 : memref<!tpu.dma_semaphore, #tpu.memory_space<semaphore_mem>>) src(%dma_wait3A_80 : memref<602112x32xf32, #tpu.memory_space<hbm>>) dst(%arg6 : memref<128x32xf32, #tpu.memory_space<vmem>>)
      %dma_wait3A_81 = arith.constant 2 : i32
      %dma_wait3A_82 = arith.constant 0 : i32
      %dma_wait3A_83 = tpu.memref_slice %arg5[%dma_wait3A_81, %dma_wait3A_82] : memref<7x128xi32, #tpu.memory_space<vmem>> -> memref<1x128xi32, #tpu.memory_space<vmem>>
      %dma_wait3A_84 = tpu.memref_squeeze %dma_wait3A_83 : memref<1x128xi32, #tpu.memory_space<vmem>> -> memref<128xi32, #tpu.memory_space<vmem>>
      %dma_wait3A_85 = arith.constant 0 : i32
      %dma_wait3A_86 = arith.constant 0 : i32
      %dma_wait3A_87 = tpu.memref_slice %arg2[%dma_wait3A_85, %dma_wait3A_86] : memref<602112x32xf32, #tpu.memory_space<hbm>> -> memref<602112x32xf32, #tpu.memory_space<hbm>>
      tpu.wait_indirect_dma semaphore(%arg7 : memref<!tpu.dma_semaphore, #tpu.memory_space<semaphore_mem>>) src(%dma_wait3A_87 : memref<602112x32xf32, #tpu.memory_space<hbm>>) dst(%arg6 : memref<128x32xf32, #tpu.memory_space<vmem>>)
      %dma_wait3A_88 = arith.constant 3 : i32
      %dma_wait3A_89 = arith.constant 0 : i32
      %dma_wait3A_90 = tpu.memref_slice %arg5[%dma_wait3A_88, %dma_wait3A_89] : memref<7x128xi32, #tpu.memory_space<vmem>> -> memref<1x128xi32, #tpu.memory_space<vmem>>
      %dma_wait3A_91 = tpu.memref_squeeze %dma_wait3A_90 : memref<1x128xi32, #tpu.memory_space<vmem>> -> memref<128xi32, #tpu.memory_space<vmem>>
      %dma_wait3A_92 = arith.constant 0 : i32
      %dma_wait3A_93 = arith.constant 0 : i32
      %dma_wait3A_94 = tpu.memref_slice %arg2[%dma_wait3A_92, %dma_wait3A_93] : memref<602112x32xf32, #tpu.memory_space<hbm>> -> memref<602112x32xf32, #tpu.memory_space<hbm>>
      tpu.wait_indirect_dma semaphore(%arg7 : memref<!tpu.dma_semaphore, #tpu.memory_space<semaphore_mem>>) src(%dma_wait3A_94 : memref<602112x32xf32, #tpu.memory_space<hbm>>) dst(%arg6 : memref<128x32xf32, #tpu.memory_space<vmem>>)
      %dma_wait3A_95 = arith.constant 4 : i32
      %dma_wait3A_96 = arith.constant 0 : i32
      %dma_wait3A_97 = tpu.memref_slice %arg5[%dma_wait3A_95, %dma_wait3A_96] : memref<7x128xi32, #tpu.memory_space<vmem>> -> memref<1x128xi32, #tpu.memory_space<vmem>>
      %dma_wait3A_98 = tpu.memref_squeeze %dma_wait3A_97 : memref<1x128xi32, #tpu.memory_space<vmem>> -> memref<128xi32, #tpu.memory_space<vmem>>
      %dma_wait3A_99 = arith.constant 0 : i32
      %dma_wait3A_100 = arith.constant 0 : i32
      %dma_wait3A_101 = tpu.memref_slice %arg2[%dma_wait3A_99, %dma_wait3A_100] : memref<602112x32xf32, #tpu.memory_space<hbm>> -> memref<602112x32xf32, #tpu.memory_space<hbm>>
      tpu.wait_indirect_dma semaphore(%arg7 : memref<!tpu.dma_semaphore, #tpu.memory_space<semaphore_mem>>) src(%dma_wait3A_101 : memref<602112x32xf32, #tpu.memory_space<hbm>>) dst(%arg6 : memref<128x32xf32, #tpu.memory_space<vmem>>)
      %dma_wait3A_102 = arith.constant 5 : i32
      %dma_wait3A_103 = arith.constant 0 : i32
      %dma_wait3A_104 = tpu.memref_slice %arg5[%dma_wait3A_102, %dma_wait3A_103] : memref<7x128xi32, #tpu.memory_space<vmem>> -> memref<1x128xi32, #tpu.memory_space<vmem>>
      %dma_wait3A_105 = tpu.memref_squeeze %dma_wait3A_104 : memref<1x128xi32, #tpu.memory_space<vmem>> -> memref<128xi32, #tpu.memory_space<vmem>>
      %dma_wait3A_106 = arith.constant 0 : i32
      %dma_wait3A_107 = arith.constant 0 : i32
      %dma_wait3A_108 = tpu.memref_slice %arg2[%dma_wait3A_106, %dma_wait3A_107] : memref<602112x32xf32, #tpu.memory_space<hbm>> -> memref<602112x32xf32, #tpu.memory_space<hbm>>
      tpu.wait_indirect_dma semaphore(%arg7 : memref<!tpu.dma_semaphore, #tpu.memory_space<semaphore_mem>>) src(%dma_wait3A_108 : memref<602112x32xf32, #tpu.memory_space<hbm>>) dst(%arg6 : memref<128x32xf32, #tpu.memory_space<vmem>>)
      %dma_wait3A_109 = arith.constant 6 : i32
      %dma_wait3A_110 = arith.constant 0 : i32
      %dma_wait3A_111 = tpu.memref_slice %arg5[%dma_wait3A_109, %dma_wait3A_110] : memref<7x128xi32, #tpu.memory_space<vmem>> -> memref<1x128xi32, #tpu.memory_space<vmem>>
      %dma_wait3A_112 = tpu.memref_squeeze %dma_wait3A_111 : memref<1x128xi32, #tpu.memory_space<vmem>> -> memref<128xi32, #tpu.memory_space<vmem>>
      %dma_wait3A_113 = arith.constant 0 : i32
      %dma_wait3A_114 = arith.constant 0 : i32
      %dma_wait3A_115 = tpu.memref_slice %arg2[%dma_wait3A_113, %dma_wait3A_114] : memref<602112x32xf32, #tpu.memory_space<hbm>> -> memref<602112x32xf32, #tpu.memory_space<hbm>>
      tpu.wait_indirect_dma semaphore(%arg7 : memref<!tpu.dma_semaphore, #tpu.memory_space<semaphore_mem>>) src(%dma_wait3A_115 : memref<602112x32xf32, #tpu.memory_space<hbm>>) dst(%arg6 : memref<128x32xf32, #tpu.memory_space<vmem>>)
      %mul3A_116 = arith.constant 128 : i32
      %mul3A_117 = arith.muli %add3A_10, %mul3A_116 : i32
      "tpu.region"() ({
        %run_scoped3A = tpu.sem_alloc : memref<!tpu.dma_semaphore, #tpu.memory_space<semaphore_mem>>
        %dma_start3A_118 = arith.constant 0 : i32
        %dma_start3A_119 = tpu.memref_slice %arg4[%mul3A_117, %dma_start3A_118] : memref<86016x32xf32, #tpu.memory_space<hbm>> -> memref<128x32xf32, #tpu.memory_space<hbm>>
        %dma_start3A_120 = arith.constant 0 : i32
        %dma_start3A_121 = tpu.memref_slice %arg4[%mul3A_117, %dma_start3A_120] : memref<86016x32xf32, #tpu.memory_space<hbm>> -> memref<128x32xf32, #tpu.memory_space<hbm>>
        tpu.enqueue_dma source(%arg6 : memref<128x32xf32, #tpu.memory_space<vmem>>) target(%dma_start3A_121 : memref<128x32xf32, #tpu.memory_space<hbm>>) target_semaphore(%run_scoped3A : memref<!tpu.dma_semaphore, #tpu.memory_space<semaphore_mem>>)
        %dma_wait3A_122 = arith.constant 0 : i32
        %dma_wait3A_123 = tpu.memref_slice %arg4[%mul3A_117, %dma_wait3A_122] : memref<86016x32xf32, #tpu.memory_space<hbm>> -> memref<128x32xf32, #tpu.memory_space<hbm>>
        %dma_wait3A_124 = arith.constant 0 : i32
        %dma_wait3A_125 = tpu.memref_slice %arg4[%mul3A_117, %dma_wait3A_124] : memref<86016x32xf32, #tpu.memory_space<hbm>> -> memref<128x32xf32, #tpu.memory_space<hbm>>
        tpu.wait_dma2 semaphore(%run_scoped3A : memref<!tpu.dma_semaphore, #tpu.memory_space<semaphore_mem>>) src(%arg6 : memref<128x32xf32, #tpu.memory_space<vmem>>) dst(%dma_wait3A_125 : memref<128x32xf32, #tpu.memory_space<hbm>>)
        tpu.yield
      }) : () -> ()
    }
    %scan3A_6 = arith.constant 21 : i32
    return
  }
}

#map = affine_map<(d0, d1) -> (0, 0)>
#map1 = affine_map<(d0, d1) -> (0, 0, 0)>
module attributes {stable_mosaic.version = 14 : i64} {
  func.func @_gather7_body(%arg0: i32, %arg1: i32, %arg2: memref<331776x32xf32, #tpu.memory_space<hbm>>, %arg3: memref<768x7x128xi32, #tpu.memory_space<hbm>>, %arg4: memref<86016x32xf32, #tpu.memory_space<hbm>>, %arg5: memref<7x128xi32, #tpu.memory_space<vmem>>, %arg6: memref<128x32xf32, #tpu.memory_space<vmem>>, %arg7: memref<!tpu.dma_semaphore, #tpu.memory_space<semaphore_mem>>) attributes {dimension_semantics = [#tpu.dimension_semantics<core_parallel>, #tpu.dimension_semantics<subcore_parallel>], iteration_bounds = array<i64: 2, 16>, scalar_prefetch = 0 : i64, scratch_operands = 3 : i64, tpu.core_type = #tpu.core_type<sc_vector_subcore>, window_params = [{transform_indices = #map}, {transform_indices = #map1}, {transform_indices = #map}]} {
    %mul3A = arith.constant 2 : i32
    %mul3A_0 = arith.muli %arg1, %mul3A : i32
    %add3A = arith.addi %mul3A_0, %arg0 : i32
    %broadcast_in_dim3A = arith.constant 0.000000e+00 : f32
    %broadcast_in_dim3A_1 = vector.broadcast %broadcast_in_dim3A : f32 to vector<16xf32>
    %scan3A = arith.constant 0 : i32
    %scan3A_2 = arith.constant 0 : i32
    %scan3A_3 = arith.constant 21 : i32
    %scan3A_4 = arith.addi %scan3A_2, %scan3A_3 : i32
    %scan3A_5 = arith.constant 1 : i32
    scf.for %scan3A_7 = %scan3A_2 to %scan3A_4 step %scan3A_5  : i32 {
      %mul3A_8 = arith.constant 21 : i32
      %mul3A_9 = arith.muli %add3A, %mul3A_8 : i32
      %add3A_10 = arith.addi %mul3A_9, %scan3A_7 : i32
      %ge3A = arith.constant 336 : i32
      %ge3A_11 = arith.cmpi sge, %add3A_10, %ge3A : i32
      %jit3A = arith.constant 48 : i32
      %jit3A_12 = arith.constant 0 : i32
      %select_n3A = arith.select %ge3A_11, %jit3A, %jit3A_12 : i32
      %add3A_13 = arith.addi %add3A_10, %select_n3A : i32
      "tpu.region"() ({
        %run_scoped3A = tpu.sem_alloc : memref<!tpu.dma_semaphore, #tpu.memory_space<semaphore_mem>>
        %dma_start3A_118 = arith.constant 0 : i32
        %dma_start3A_119 = arith.constant 0 : i32
        %dma_start3A_120 = tpu.memref_slice %arg3[%add3A_13, %dma_start3A_118, %dma_start3A_119] : memref<768x7x128xi32, #tpu.memory_space<hbm>> -> memref<1x7x128xi32, #tpu.memory_space<hbm>>
        %dma_start3A_121 = tpu.memref_squeeze %dma_start3A_120 : memref<1x7x128xi32, #tpu.memory_space<hbm>> -> memref<7x128xi32, #tpu.memory_space<hbm>>
        %dma_start3A_122 = arith.constant 0 : i32
        %dma_start3A_123 = arith.constant 0 : i32
        %dma_start3A_124 = tpu.memref_slice %arg3[%add3A_13, %dma_start3A_122, %dma_start3A_123] : memref<768x7x128xi32, #tpu.memory_space<hbm>> -> memref<1x7x128xi32, #tpu.memory_space<hbm>>
        %dma_start3A_125 = tpu.memref_squeeze %dma_start3A_124 : memref<1x7x128xi32, #tpu.memory_space<hbm>> -> memref<7x128xi32, #tpu.memory_space<hbm>>
        tpu.enqueue_dma source(%dma_start3A_125 : memref<7x128xi32, #tpu.memory_space<hbm>>) target(%arg5 : memref<7x128xi32, #tpu.memory_space<vmem>>) target_semaphore(%run_scoped3A : memref<!tpu.dma_semaphore, #tpu.memory_space<semaphore_mem>>)
        %dma_wait3A_126 = arith.constant 0 : i32
        %dma_wait3A_127 = arith.constant 0 : i32
        %dma_wait3A_128 = tpu.memref_slice %arg3[%add3A_13, %dma_wait3A_126, %dma_wait3A_127] : memref<768x7x128xi32, #tpu.memory_space<hbm>> -> memref<1x7x128xi32, #tpu.memory_space<hbm>>
        %dma_wait3A_129 = tpu.memref_squeeze %dma_wait3A_128 : memref<1x7x128xi32, #tpu.memory_space<hbm>> -> memref<7x128xi32, #tpu.memory_space<hbm>>
        %dma_wait3A_130 = arith.constant 0 : i32
        %dma_wait3A_131 = arith.constant 0 : i32
        %dma_wait3A_132 = tpu.memref_slice %arg3[%add3A_13, %dma_wait3A_130, %dma_wait3A_131] : memref<768x7x128xi32, #tpu.memory_space<hbm>> -> memref<1x7x128xi32, #tpu.memory_space<hbm>>
        %dma_wait3A_133 = tpu.memref_squeeze %dma_wait3A_132 : memref<1x7x128xi32, #tpu.memory_space<hbm>> -> memref<7x128xi32, #tpu.memory_space<hbm>>
        tpu.wait_dma2 semaphore(%run_scoped3A : memref<!tpu.dma_semaphore, #tpu.memory_space<semaphore_mem>>) src(%dma_wait3A_133 : memref<7x128xi32, #tpu.memory_space<hbm>>) dst(%arg5 : memref<7x128xi32, #tpu.memory_space<vmem>>)
        tpu.yield
      }) : () -> ()
      %scan3A_14 = arith.constant 0 : i32
      %scan3A_15 = arith.constant 0 : i32
      %scan3A_16 = arith.constant 128 : i32
      %scan3A_17 = arith.addi %scan3A_15, %scan3A_16 : i32
      %scan3A_18 = arith.constant 1 : i32
      scf.for %scan3A_118 = %scan3A_15 to %scan3A_17 step %scan3A_18  : i32 {
        %swap3A = arith.index_cast %scan3A_118 : i32 to index
        %swap3A_119 = arith.constant 0 : index
        %swap3A_120 = tpu.vector_load %arg6[%swap3A, %swap3A_119] {strides = array<i32>} : memref<128x32xf32, #tpu.memory_space<vmem>>, vector<1x16xf32>,
        %swap3A_121 = vector.shape_cast %swap3A_120 : vector<1x16xf32> to vector<16xf32>
        %swap3A_122 = vector.shape_cast %broadcast_in_dim3A_1 : vector<16xf32> to vector<1x16xf32>
        tpu.vector_store %arg6[%swap3A, %swap3A_119], %swap3A_122 {strides = array<i32>} : memref<128x32xf32, #tpu.memory_space<vmem>>, vector<1x16xf32>,
        %swap3A_123 = arith.index_cast %scan3A_118 : i32 to index
        %swap3A_124 = arith.constant 16 : index
        %swap3A_125 = tpu.vector_load %arg6[%swap3A_123, %swap3A_124] {strides = array<i32>} : memref<128x32xf32, #tpu.memory_space<vmem>>, vector<1x16xf32>,
        %swap3A_126 = vector.shape_cast %swap3A_125 : vector<1x16xf32> to vector<16xf32>
        %swap3A_127 = vector.shape_cast %broadcast_in_dim3A_1 : vector<16xf32> to vector<1x16xf32>
        tpu.vector_store %arg6[%swap3A_123, %swap3A_124], %swap3A_127 {strides = array<i32>} : memref<128x32xf32, #tpu.memory_space<vmem>>, vector<1x16xf32>,
      }
      %scan3A_19 = arith.constant 128 : i32
      %dma_start3A = arith.constant 0 : i32
      %dma_start3A_20 = arith.constant 0 : i32
      %dma_start3A_21 = tpu.memref_slice %arg5[%dma_start3A, %dma_start3A_20] : memref<7x128xi32, #tpu.memory_space<vmem>> -> memref<1x128xi32, #tpu.memory_space<vmem>>
      %dma_start3A_22 = tpu.memref_squeeze %dma_start3A_21 : memref<1x128xi32, #tpu.memory_space<vmem>> -> memref<128xi32, #tpu.memory_space<vmem>>
      %dma_start3A_23 = arith.constant 0 : i32
      %dma_start3A_24 = arith.constant 0 : i32
      %dma_start3A_25 = tpu.memref_slice %arg2[%dma_start3A_23, %dma_start3A_24] : memref<331776x32xf32, #tpu.memory_space<hbm>> -> memref<331776x32xf32, #tpu.memory_space<hbm>>
      tpu.enqueue_indirect_dma source(%dma_start3A_25 : memref<331776x32xf32, #tpu.memory_space<hbm>>) target(%arg6 : memref<128x32xf32, #tpu.memory_space<vmem>>) offsets(%dma_start3A_22 : memref<128xi32, #tpu.memory_space<vmem>>) semaphore(%arg7 : memref<!tpu.dma_semaphore, #tpu.memory_space<semaphore_mem>>) {add = true}
      %dma_start3A_26 = arith.constant 1 : i32
      %dma_start3A_27 = arith.constant 0 : i32
      %dma_start3A_28 = tpu.memref_slice %arg5[%dma_start3A_26, %dma_start3A_27] : memref<7x128xi32, #tpu.memory_space<vmem>> -> memref<1x128xi32, #tpu.memory_space<vmem>>
      %dma_start3A_29 = tpu.memref_squeeze %dma_start3A_28 : memref<1x128xi32, #tpu.memory_space<vmem>> -> memref<128xi32, #tpu.memory_space<vmem>>
      %dma_start3A_30 = arith.constant 0 : i32
      %dma_start3A_31 = arith.constant 0 : i32
      %dma_start3A_32 = tpu.memref_slice %arg2[%dma_start3A_30, %dma_start3A_31] : memref<331776x32xf32, #tpu.memory_space<hbm>> -> memref<331776x32xf32, #tpu.memory_space<hbm>>
      tpu.enqueue_indirect_dma source(%dma_start3A_32 : memref<331776x32xf32, #tpu.memory_space<hbm>>) target(%arg6 : memref<128x32xf32, #tpu.memory_space<vmem>>) offsets(%dma_start3A_29 : memref<128xi32, #tpu.memory_space<vmem>>) semaphore(%arg7 : memref<!tpu.dma_semaphore, #tpu.memory_space<semaphore_mem>>) {add = true}
      %dma_start3A_33 = arith.constant 2 : i32
      %dma_start3A_34 = arith.constant 0 : i32
      %dma_start3A_35 = tpu.memref_slice %arg5[%dma_start3A_33, %dma_start3A_34] : memref<7x128xi32, #tpu.memory_space<vmem>> -> memref<1x128xi32, #tpu.memory_space<vmem>>
      %dma_start3A_36 = tpu.memref_squeeze %dma_start3A_35 : memref<1x128xi32, #tpu.memory_space<vmem>> -> memref<128xi32, #tpu.memory_space<vmem>>
      %dma_start3A_37 = arith.constant 0 : i32
      %dma_start3A_38 = arith.constant 0 : i32
      %dma_start3A_39 = tpu.memref_slice %arg2[%dma_start3A_37, %dma_start3A_38] : memref<331776x32xf32, #tpu.memory_space<hbm>> -> memref<331776x32xf32, #tpu.memory_space<hbm>>
      tpu.enqueue_indirect_dma source(%dma_start3A_39 : memref<331776x32xf32, #tpu.memory_space<hbm>>) target(%arg6 : memref<128x32xf32, #tpu.memory_space<vmem>>) offsets(%dma_start3A_36 : memref<128xi32, #tpu.memory_space<vmem>>) semaphore(%arg7 : memref<!tpu.dma_semaphore, #tpu.memory_space<semaphore_mem>>) {add = true}
      %dma_start3A_40 = arith.constant 3 : i32
      %dma_start3A_41 = arith.constant 0 : i32
      %dma_start3A_42 = tpu.memref_slice %arg5[%dma_start3A_40, %dma_start3A_41] : memref<7x128xi32, #tpu.memory_space<vmem>> -> memref<1x128xi32, #tpu.memory_space<vmem>>
      %dma_start3A_43 = tpu.memref_squeeze %dma_start3A_42 : memref<1x128xi32, #tpu.memory_space<vmem>> -> memref<128xi32, #tpu.memory_space<vmem>>
      %dma_start3A_44 = arith.constant 0 : i32
      %dma_start3A_45 = arith.constant 0 : i32
      %dma_start3A_46 = tpu.memref_slice %arg2[%dma_start3A_44, %dma_start3A_45] : memref<331776x32xf32, #tpu.memory_space<hbm>> -> memref<331776x32xf32, #tpu.memory_space<hbm>>
      tpu.enqueue_indirect_dma source(%dma_start3A_46 : memref<331776x32xf32, #tpu.memory_space<hbm>>) target(%arg6 : memref<128x32xf32, #tpu.memory_space<vmem>>) offsets(%dma_start3A_43 : memref<128xi32, #tpu.memory_space<vmem>>) semaphore(%arg7 : memref<!tpu.dma_semaphore, #tpu.memory_space<semaphore_mem>>) {add = true}
      %dma_start3A_47 = arith.constant 4 : i32
      %dma_start3A_48 = arith.constant 0 : i32
      %dma_start3A_49 = tpu.memref_slice %arg5[%dma_start3A_47, %dma_start3A_48] : memref<7x128xi32, #tpu.memory_space<vmem>> -> memref<1x128xi32, #tpu.memory_space<vmem>>
      %dma_start3A_50 = tpu.memref_squeeze %dma_start3A_49 : memref<1x128xi32, #tpu.memory_space<vmem>> -> memref<128xi32, #tpu.memory_space<vmem>>
      %dma_start3A_51 = arith.constant 0 : i32
      %dma_start3A_52 = arith.constant 0 : i32
      %dma_start3A_53 = tpu.memref_slice %arg2[%dma_start3A_51, %dma_start3A_52] : memref<331776x32xf32, #tpu.memory_space<hbm>> -> memref<331776x32xf32, #tpu.memory_space<hbm>>
      tpu.enqueue_indirect_dma source(%dma_start3A_53 : memref<331776x32xf32, #tpu.memory_space<hbm>>) target(%arg6 : memref<128x32xf32, #tpu.memory_space<vmem>>) offsets(%dma_start3A_50 : memref<128xi32, #tpu.memory_space<vmem>>) semaphore(%arg7 : memref<!tpu.dma_semaphore, #tpu.memory_space<semaphore_mem>>) {add = true}
      %dma_start3A_54 = arith.constant 5 : i32
      %dma_start3A_55 = arith.constant 0 : i32
      %dma_start3A_56 = tpu.memref_slice %arg5[%dma_start3A_54, %dma_start3A_55] : memref<7x128xi32, #tpu.memory_space<vmem>> -> memref<1x128xi32, #tpu.memory_space<vmem>>
      %dma_start3A_57 = tpu.memref_squeeze %dma_start3A_56 : memref<1x128xi32, #tpu.memory_space<vmem>> -> memref<128xi32, #tpu.memory_space<vmem>>
      %dma_start3A_58 = arith.constant 0 : i32
      %dma_start3A_59 = arith.constant 0 : i32
      %dma_start3A_60 = tpu.memref_slice %arg2[%dma_start3A_58, %dma_start3A_59] : memref<331776x32xf32, #tpu.memory_space<hbm>> -> memref<331776x32xf32, #tpu.memory_space<hbm>>
      tpu.enqueue_indirect_dma source(%dma_start3A_60 : memref<331776x32xf32, #tpu.memory_space<hbm>>) target(%arg6 : memref<128x32xf32, #tpu.memory_space<vmem>>) offsets(%dma_start3A_57 : memref<128xi32, #tpu.memory_space<vmem>>) semaphore(%arg7 : memref<!tpu.dma_semaphore, #tpu.memory_space<semaphore_mem>>) {add = true}
      %dma_start3A_61 = arith.constant 6 : i32
      %dma_start3A_62 = arith.constant 0 : i32
      %dma_start3A_63 = tpu.memref_slice %arg5[%dma_start3A_61, %dma_start3A_62] : memref<7x128xi32, #tpu.memory_space<vmem>> -> memref<1x128xi32, #tpu.memory_space<vmem>>
      %dma_start3A_64 = tpu.memref_squeeze %dma_start3A_63 : memref<1x128xi32, #tpu.memory_space<vmem>> -> memref<128xi32, #tpu.memory_space<vmem>>
      %dma_start3A_65 = arith.constant 0 : i32
      %dma_start3A_66 = arith.constant 0 : i32
      %dma_start3A_67 = tpu.memref_slice %arg2[%dma_start3A_65, %dma_start3A_66] : memref<331776x32xf32, #tpu.memory_space<hbm>> -> memref<331776x32xf32, #tpu.memory_space<hbm>>
      tpu.enqueue_indirect_dma source(%dma_start3A_67 : memref<331776x32xf32, #tpu.memory_space<hbm>>) target(%arg6 : memref<128x32xf32, #tpu.memory_space<vmem>>) offsets(%dma_start3A_64 : memref<128xi32, #tpu.memory_space<vmem>>) semaphore(%arg7 : memref<!tpu.dma_semaphore, #tpu.memory_space<semaphore_mem>>) {add = true}
      %dma_wait3A = arith.constant 0 : i32
      %dma_wait3A_68 = arith.constant 0 : i32
      %dma_wait3A_69 = tpu.memref_slice %arg5[%dma_wait3A, %dma_wait3A_68] : memref<7x128xi32, #tpu.memory_space<vmem>> -> memref<1x128xi32, #tpu.memory_space<vmem>>
      %dma_wait3A_70 = tpu.memref_squeeze %dma_wait3A_69 : memref<1x128xi32, #tpu.memory_space<vmem>> -> memref<128xi32, #tpu.memory_space<vmem>>
      %dma_wait3A_71 = arith.constant 0 : i32
      %dma_wait3A_72 = arith.constant 0 : i32
      %dma_wait3A_73 = tpu.memref_slice %arg2[%dma_wait3A_71, %dma_wait3A_72] : memref<331776x32xf32, #tpu.memory_space<hbm>> -> memref<331776x32xf32, #tpu.memory_space<hbm>>
      tpu.wait_indirect_dma semaphore(%arg7 : memref<!tpu.dma_semaphore, #tpu.memory_space<semaphore_mem>>) src(%dma_wait3A_73 : memref<331776x32xf32, #tpu.memory_space<hbm>>) dst(%arg6 : memref<128x32xf32, #tpu.memory_space<vmem>>)
      %dma_wait3A_74 = arith.constant 1 : i32
      %dma_wait3A_75 = arith.constant 0 : i32
      %dma_wait3A_76 = tpu.memref_slice %arg5[%dma_wait3A_74, %dma_wait3A_75] : memref<7x128xi32, #tpu.memory_space<vmem>> -> memref<1x128xi32, #tpu.memory_space<vmem>>
      %dma_wait3A_77 = tpu.memref_squeeze %dma_wait3A_76 : memref<1x128xi32, #tpu.memory_space<vmem>> -> memref<128xi32, #tpu.memory_space<vmem>>
      %dma_wait3A_78 = arith.constant 0 : i32
      %dma_wait3A_79 = arith.constant 0 : i32
      %dma_wait3A_80 = tpu.memref_slice %arg2[%dma_wait3A_78, %dma_wait3A_79] : memref<331776x32xf32, #tpu.memory_space<hbm>> -> memref<331776x32xf32, #tpu.memory_space<hbm>>
      tpu.wait_indirect_dma semaphore(%arg7 : memref<!tpu.dma_semaphore, #tpu.memory_space<semaphore_mem>>) src(%dma_wait3A_80 : memref<331776x32xf32, #tpu.memory_space<hbm>>) dst(%arg6 : memref<128x32xf32, #tpu.memory_space<vmem>>)
      %dma_wait3A_81 = arith.constant 2 : i32
      %dma_wait3A_82 = arith.constant 0 : i32
      %dma_wait3A_83 = tpu.memref_slice %arg5[%dma_wait3A_81, %dma_wait3A_82] : memref<7x128xi32, #tpu.memory_space<vmem>> -> memref<1x128xi32, #tpu.memory_space<vmem>>
      %dma_wait3A_84 = tpu.memref_squeeze %dma_wait3A_83 : memref<1x128xi32, #tpu.memory_space<vmem>> -> memref<128xi32, #tpu.memory_space<vmem>>
      %dma_wait3A_85 = arith.constant 0 : i32
      %dma_wait3A_86 = arith.constant 0 : i32
      %dma_wait3A_87 = tpu.memref_slice %arg2[%dma_wait3A_85, %dma_wait3A_86] : memref<331776x32xf32, #tpu.memory_space<hbm>> -> memref<331776x32xf32, #tpu.memory_space<hbm>>
      tpu.wait_indirect_dma semaphore(%arg7 : memref<!tpu.dma_semaphore, #tpu.memory_space<semaphore_mem>>) src(%dma_wait3A_87 : memref<331776x32xf32, #tpu.memory_space<hbm>>) dst(%arg6 : memref<128x32xf32, #tpu.memory_space<vmem>>)
      %dma_wait3A_88 = arith.constant 3 : i32
      %dma_wait3A_89 = arith.constant 0 : i32
      %dma_wait3A_90 = tpu.memref_slice %arg5[%dma_wait3A_88, %dma_wait3A_89] : memref<7x128xi32, #tpu.memory_space<vmem>> -> memref<1x128xi32, #tpu.memory_space<vmem>>
      %dma_wait3A_91 = tpu.memref_squeeze %dma_wait3A_90 : memref<1x128xi32, #tpu.memory_space<vmem>> -> memref<128xi32, #tpu.memory_space<vmem>>
      %dma_wait3A_92 = arith.constant 0 : i32
      %dma_wait3A_93 = arith.constant 0 : i32
      %dma_wait3A_94 = tpu.memref_slice %arg2[%dma_wait3A_92, %dma_wait3A_93] : memref<331776x32xf32, #tpu.memory_space<hbm>> -> memref<331776x32xf32, #tpu.memory_space<hbm>>
      tpu.wait_indirect_dma semaphore(%arg7 : memref<!tpu.dma_semaphore, #tpu.memory_space<semaphore_mem>>) src(%dma_wait3A_94 : memref<331776x32xf32, #tpu.memory_space<hbm>>) dst(%arg6 : memref<128x32xf32, #tpu.memory_space<vmem>>)
      %dma_wait3A_95 = arith.constant 4 : i32
      %dma_wait3A_96 = arith.constant 0 : i32
      %dma_wait3A_97 = tpu.memref_slice %arg5[%dma_wait3A_95, %dma_wait3A_96] : memref<7x128xi32, #tpu.memory_space<vmem>> -> memref<1x128xi32, #tpu.memory_space<vmem>>
      %dma_wait3A_98 = tpu.memref_squeeze %dma_wait3A_97 : memref<1x128xi32, #tpu.memory_space<vmem>> -> memref<128xi32, #tpu.memory_space<vmem>>
      %dma_wait3A_99 = arith.constant 0 : i32
      %dma_wait3A_100 = arith.constant 0 : i32
      %dma_wait3A_101 = tpu.memref_slice %arg2[%dma_wait3A_99, %dma_wait3A_100] : memref<331776x32xf32, #tpu.memory_space<hbm>> -> memref<331776x32xf32, #tpu.memory_space<hbm>>
      tpu.wait_indirect_dma semaphore(%arg7 : memref<!tpu.dma_semaphore, #tpu.memory_space<semaphore_mem>>) src(%dma_wait3A_101 : memref<331776x32xf32, #tpu.memory_space<hbm>>) dst(%arg6 : memref<128x32xf32, #tpu.memory_space<vmem>>)
      %dma_wait3A_102 = arith.constant 5 : i32
      %dma_wait3A_103 = arith.constant 0 : i32
      %dma_wait3A_104 = tpu.memref_slice %arg5[%dma_wait3A_102, %dma_wait3A_103] : memref<7x128xi32, #tpu.memory_space<vmem>> -> memref<1x128xi32, #tpu.memory_space<vmem>>
      %dma_wait3A_105 = tpu.memref_squeeze %dma_wait3A_104 : memref<1x128xi32, #tpu.memory_space<vmem>> -> memref<128xi32, #tpu.memory_space<vmem>>
      %dma_wait3A_106 = arith.constant 0 : i32
      %dma_wait3A_107 = arith.constant 0 : i32
      %dma_wait3A_108 = tpu.memref_slice %arg2[%dma_wait3A_106, %dma_wait3A_107] : memref<331776x32xf32, #tpu.memory_space<hbm>> -> memref<331776x32xf32, #tpu.memory_space<hbm>>
      tpu.wait_indirect_dma semaphore(%arg7 : memref<!tpu.dma_semaphore, #tpu.memory_space<semaphore_mem>>) src(%dma_wait3A_108 : memref<331776x32xf32, #tpu.memory_space<hbm>>) dst(%arg6 : memref<128x32xf32, #tpu.memory_space<vmem>>)
      %dma_wait3A_109 = arith.constant 6 : i32
      %dma_wait3A_110 = arith.constant 0 : i32
      %dma_wait3A_111 = tpu.memref_slice %arg5[%dma_wait3A_109, %dma_wait3A_110] : memref<7x128xi32, #tpu.memory_space<vmem>> -> memref<1x128xi32, #tpu.memory_space<vmem>>
      %dma_wait3A_112 = tpu.memref_squeeze %dma_wait3A_111 : memref<1x128xi32, #tpu.memory_space<vmem>> -> memref<128xi32, #tpu.memory_space<vmem>>
      %dma_wait3A_113 = arith.constant 0 : i32
      %dma_wait3A_114 = arith.constant 0 : i32
      %dma_wait3A_115 = tpu.memref_slice %arg2[%dma_wait3A_113, %dma_wait3A_114] : memref<331776x32xf32, #tpu.memory_space<hbm>> -> memref<331776x32xf32, #tpu.memory_space<hbm>>
      tpu.wait_indirect_dma semaphore(%arg7 : memref<!tpu.dma_semaphore, #tpu.memory_space<semaphore_mem>>) src(%dma_wait3A_115 : memref<331776x32xf32, #tpu.memory_space<hbm>>) dst(%arg6 : memref<128x32xf32, #tpu.memory_space<vmem>>)
      %mul3A_116 = arith.constant 128 : i32
      %mul3A_117 = arith.muli %add3A_10, %mul3A_116 : i32
      "tpu.region"() ({
        %run_scoped3A = tpu.sem_alloc : memref<!tpu.dma_semaphore, #tpu.memory_space<semaphore_mem>>
        %dma_start3A_118 = arith.constant 0 : i32
        %dma_start3A_119 = tpu.memref_slice %arg4[%mul3A_117, %dma_start3A_118] : memref<86016x32xf32, #tpu.memory_space<hbm>> -> memref<128x32xf32, #tpu.memory_space<hbm>>
        %dma_start3A_120 = arith.constant 0 : i32
        %dma_start3A_121 = tpu.memref_slice %arg4[%mul3A_117, %dma_start3A_120] : memref<86016x32xf32, #tpu.memory_space<hbm>> -> memref<128x32xf32, #tpu.memory_space<hbm>>
        tpu.enqueue_dma source(%arg6 : memref<128x32xf32, #tpu.memory_space<vmem>>) target(%dma_start3A_121 : memref<128x32xf32, #tpu.memory_space<hbm>>) target_semaphore(%run_scoped3A : memref<!tpu.dma_semaphore, #tpu.memory_space<semaphore_mem>>)
        %dma_wait3A_122 = arith.constant 0 : i32
        %dma_wait3A_123 = tpu.memref_slice %arg4[%mul3A_117, %dma_wait3A_122] : memref<86016x32xf32, #tpu.memory_space<hbm>> -> memref<128x32xf32, #tpu.memory_space<hbm>>
        %dma_wait3A_124 = arith.constant 0 : i32
        %dma_wait3A_125 = tpu.memref_slice %arg4[%mul3A_117, %dma_wait3A_124] : memref<86016x32xf32, #tpu.memory_space<hbm>> -> memref<128x32xf32, #tpu.memory_space<hbm>>
        tpu.wait_dma2 semaphore(%run_scoped3A : memref<!tpu.dma_semaphore, #tpu.memory_space<semaphore_mem>>) src(%arg6 : memref<128x32xf32, #tpu.memory_space<vmem>>) dst(%dma_wait3A_125 : memref<128x32xf32, #tpu.memory_space<hbm>>)
        tpu.yield
      }) : () -> ()
    }
    %scan3A_6 = arith.constant 21 : i32
    return
  }
}

module attributes {stable_mosaic.version = 14 : i64} {
  func.func @_xpose_body(%arg0: i32, %arg1: i32, %arg2: memref<1x32x2048xf32, #tpu.memory_space<vmem>>, %arg3: memref<32x32xf32, #tpu.memory_space<vmem>>, %arg4: memref<1x512x128xf32, #tpu.memory_space<vmem>>) attributes {dimension_semantics = [#tpu.dimension_semantics<arbitrary>, #tpu.dimension_semantics<arbitrary>], iteration_bounds = array<i64: 2, 81>, scalar_prefetch = 0 : i64, scratch_operands = 0 : i64, tpu.core_type = #tpu.core_type<tc>, window_params = [{transform_indices = @transform_0, window_bounds = array<i64: 1, 32, 2048>}, {pipeline_mode = #tpu.pipeline_mode<synchronous>, transform_indices = @transform_1, window_bounds = array<i64: 32, 32>}, {transform_indices = @transform_2, window_bounds = array<i64: 1, 512, 128>}]} {
    %get3A = arith.constant 0 : index
    %get3A_0 = arith.constant 0 : index
    %get3A_1 = arith.constant 0 : index
    %get3A_2 = vector.load %arg2[%get3A, %get3A_0, %get3A_1] : memref<1x32x2048xf32, #tpu.memory_space<vmem>>, vector<1x32x2048xf32>
    %get3A_3 = vector.shape_cast %get3A_2 : vector<1x32x2048xf32> to vector<32x2048xf32>
    %get3A_4 = arith.constant 0 : index
    %get3A_5 = arith.constant 0 : index
    %get3A_6 = vector.load %arg3[%get3A_4, %get3A_5] : memref<32x32xf32, #tpu.memory_space<vmem>>, vector<32x32xf32>
    %dot_general3A = arith.constant dense<0.000000e+00> : vector<2048x32xf32>
    %dot_general3A_7 = tpu.matmul %get3A_3, %get3A_6, %dot_general3A {dimension_numbers = #tpu.dot_dimension_numbers<[0], [0], [1], [1], [0, 1, 1, 1], [], []>, precision = #tpu.contract_precision<fp32>, transpose_lhs_hint = false} : vector<32x2048xf32>, vector<32x32xf32>, vector<2048x32xf32> -> vector<2048x32xf32>
    %slice3A = vector.extract_strided_slice %dot_general3A_7 {offsets = [0, 0], sizes = [512, 32], strides = [1, 1]} : vector<2048x32xf32> to vector<512x32xf32>
    %slice3A_8 = vector.extract_strided_slice %dot_general3A_7 {offsets = [512, 0], sizes = [512, 32], strides = [1, 1]} : vector<2048x32xf32> to vector<512x32xf32>
    %slice3A_9 = vector.extract_strided_slice %dot_general3A_7 {offsets = [1024, 0], sizes = [512, 32], strides = [1, 1]} : vector<2048x32xf32> to vector<512x32xf32>
    %slice3A_10 = vector.extract_strided_slice %dot_general3A_7 {offsets = [1536, 0], sizes = [512, 32], strides = [1, 1]} : vector<2048x32xf32> to vector<512x32xf32>
    %concatenate3A = tpu.concatenate %slice3A, %slice3A_8, %slice3A_9, %slice3A_10 in 1 : vector<512x32xf32>, vector<512x32xf32>, vector<512x32xf32>, vector<512x32xf32> -> vector<512x128xf32>
    %swap3A = arith.constant 0 : index
    %swap3A_11 = arith.constant 0 : index
    %swap3A_12 = arith.constant 0 : index
    %swap3A_13 = vector.load %arg4[%swap3A, %swap3A_11, %swap3A_12] : memref<1x512x128xf32, #tpu.memory_space<vmem>>, vector<1x512x128xf32>
    %swap3A_14 = vector.shape_cast %swap3A_13 : vector<1x512x128xf32> to vector<512x128xf32>
    %swap3A_15 = vector.shape_cast %concatenate3A : vector<512x128xf32> to vector<1x512x128xf32>
    tpu.vector_store %arg4[%swap3A, %swap3A_11, %swap3A_12], %swap3A_15 {strides = array<i32>} : memref<1x512x128xf32, #tpu.memory_space<vmem>>, vector<1x512x128xf32>,
    return
  }
  func.func @transform_0(%arg0: i32, %arg1: i32) -> (i32, i32, i32) {
    %c0_i32 = arith.constant 0 : i32
    %c0_i32_0 = arith.constant 0 : i32
    return %arg0, %c0_i32, %arg1 : i32, i32, i32
  }
  func.func @transform_1(%arg0: i32, %arg1: i32) -> (i32, i32) {
    %c0_i32 = arith.constant 0 : i32
    %c0_i32_0 = arith.constant 0 : i32
    %c0_i32_1 = arith.constant 0 : i32
    return %c0_i32, %c0_i32_0 : i32, i32
  }
  func.func @transform_2(%arg0: i32, %arg1: i32) -> (i32, i32, i32) {
    %c0_i32 = arith.constant 0 : i32
    %c0_i32_0 = arith.constant 0 : i32
    return %arg0, %arg1, %c0_i32 : i32, i32, i32
  }
}

module attributes {stable_mosaic.version = 14 : i64} {
  func.func @_idx_body(%arg0: i32, %arg1: i32, %arg2: memref<8x7168xi32, #tpu.memory_space<vmem>>, %arg3: memref<8x7168xi32, #tpu.memory_space<vmem>>, %arg4: memref<1x1x448x128xi32, #tpu.memory_space<vmem>>, %arg5: memref<1x1x448x128xi32, #tpu.memory_space<vmem>>) attributes {dimension_semantics = [#tpu.dimension_semantics<arbitrary>, #tpu.dimension_semantics<arbitrary>], iteration_bounds = array<i64: 2, 6>, scalar_prefetch = 0 : i64, scratch_operands = 0 : i64, tpu.core_type = #tpu.core_type<tc>, window_params = [{transform_indices = @transform_0, window_bounds = array<i64: 8, 7168>}, {transform_indices = @transform_1, window_bounds = array<i64: 8, 7168>}, {transform_indices = @transform_2, window_bounds = array<i64: 1, 1, 448, 128>}, {transform_indices = @transform_3, window_bounds = array<i64: 1, 1, 448, 128>}]} {
    %iota3A = tpu.iota {dimensions = array<i32: 0>} : vector<448x128xi32>
    %iota3A_0 = tpu.iota {dimensions = array<i32: 1>} : vector<448x128xi32>
    %jit3A = arith.constant 7 : i32
    %div3A = vector.broadcast %jit3A : i32 to vector<448x128xi32>
    %div3A_1 = arith.divsi %iota3A, %div3A : vector<448x128xi32>
    %sign3A = arith.constant 0 : i32
    %sign3A_2 = vector.broadcast %sign3A : i32 to vector<448x128xi32>
    %sign3A_3 = arith.cmpi sgt, %iota3A, %sign3A_2 : vector<448x128xi32>
    %sign3A_4 = arith.extui %sign3A_3 : vector<448x128xi1> to vector<448x128xi32>
    %sign3A_5 = arith.constant 0 : i32
    %sign3A_6 = vector.broadcast %sign3A_5 : i32 to vector<448x128xi32>
    %sign3A_7 = arith.cmpi slt, %iota3A, %sign3A_6 : vector<448x128xi32>
    %sign3A_8 = arith.extui %sign3A_7 : vector<448x128xi1> to vector<448x128xi32>
    %sign3A_9 = arith.subi %sign3A_4, %sign3A_8 : vector<448x128xi32>
    %sign3A_10 = arith.constant 0 : i32
    %sign3A_11 = arith.cmpi sgt, %jit3A, %sign3A_10 : i32
    %sign3A_12 = arith.extui %sign3A_11 : i1 to i32
    %sign3A_13 = arith.constant 0 : i32
    %sign3A_14 = arith.cmpi slt, %jit3A, %sign3A_13 : i32
    %sign3A_15 = arith.extui %sign3A_14 : i1 to i32
    %sign3A_16 = arith.subi %sign3A_12, %sign3A_15 : i32
    %ne3A = vector.broadcast %sign3A_16 : i32 to vector<448x128xi32>
    %ne3A_17 = arith.cmpi ne, %sign3A_9, %ne3A : vector<448x128xi32>
    %rem3A = vector.broadcast %jit3A : i32 to vector<448x128xi32>
    %rem3A_18 = arith.remsi %iota3A, %rem3A : vector<448x128xi32>
    %ne3A_19 = arith.constant 0 : i32
    %ne3A_20 = vector.broadcast %ne3A_19 : i32 to vector<448x128xi32>
    %ne3A_21 = arith.cmpi ne, %rem3A_18, %ne3A_20 : vector<448x128xi32>
    %and3A = arith.andi %ne3A_17, %ne3A_21 : vector<448x128xi1>
    %sub3A = arith.constant 1 : i32
    %sub3A_22 = vector.broadcast %sub3A : i32 to vector<448x128xi32>
    %sub3A_23 = arith.subi %div3A_1, %sub3A_22 : vector<448x128xi32>
    %select_n3A = arith.select %and3A, %sub3A_23, %div3A_1 : vector<448x128xi1>, vector<448x128xi32>
    %mul3A = arith.constant 7 : i32
    %mul3A_24 = vector.broadcast %mul3A : i32 to vector<448x128xi32>
    %mul3A_25 = arith.muli %mul3A_24, %select_n3A : vector<448x128xi32>
    %sub3A_26 = arith.subi %iota3A, %mul3A_25 : vector<448x128xi32>
    %mul3A_27 = arith.constant 8192 : i32
    %mul3A_28 = arith.muli %arg1, %mul3A_27 : i32
    %mul3A_29 = arith.constant 128 : i32
    %mul3A_30 = vector.broadcast %mul3A_29 : i32 to vector<448x128xi32>
    %mul3A_31 = arith.muli %select_n3A, %mul3A_30 : vector<448x128xi32>
    %add3A = vector.broadcast %mul3A_28 : i32 to vector<448x128xi32>
    %add3A_32 = arith.addi %add3A, %mul3A_31 : vector<448x128xi32>
    %add3A_33 = arith.addi %add3A_32, %iota3A_0 : vector<448x128xi32>
    %lt3A = arith.constant 40962 : i32
    %lt3A_34 = vector.broadcast %lt3A : i32 to vector<448x128xi32>
    %lt3A_35 = arith.cmpi slt, %add3A_33, %lt3A_34 : vector<448x128xi32>
    %get3A = arith.constant 0 : index
    %get3A_36 = arith.constant 0 : index
    %get3A_37 = vector.load %arg2[%get3A, %get3A_36] : memref<8x7168xi32, #tpu.memory_space<vmem>>, vector<8x7168xi32>
    %reshape3A = vector.shape_cast %get3A_37 : vector<8x7168xi32> to vector<8x8x128x7xi32>
    %transpose3A = tpu.transpose %reshape3A, [0, 1, 3, 2] : vector<8x8x128x7xi32> -> vector<8x8x7x128xi32>
    %reshape3A_38 = vector.shape_cast %transpose3A : vector<8x8x7x128xi32> to vector<448x128xi32>
    %and3A_39 = arith.constant -2048 : i32
    %and3A_40 = vector.broadcast %and3A_39 : i32 to vector<448x128xi32>
    %and3A_41 = arith.andi %reshape3A_38, %and3A_40 : vector<448x128xi32>
    %and3A_42 = arith.constant 511 : i32
    %and3A_43 = vector.broadcast %and3A_42 : i32 to vector<448x128xi32>
    %and3A_44 = arith.andi %reshape3A_38, %and3A_43 : vector<448x128xi32>
    %shift_left3A = arith.constant 2 : i32
    %shift_left3A_45 = vector.broadcast %shift_left3A : i32 to vector<448x128xi32>
    %shift_left3A_46 = arith.shli %and3A_44, %shift_left3A_45 : vector<448x128xi32>
    %add3A_47 = arith.addi %and3A_41, %shift_left3A_46 : vector<448x128xi32>
    %shift_right_arithmetic3A = arith.constant 9 : i32
    %shift_right_arithmetic3A_48 = vector.broadcast %shift_right_arithmetic3A : i32 to vector<448x128xi32>
    %shift_right_arithmetic3A_49 = arith.shrsi %reshape3A_38, %shift_right_arithmetic3A_48 : vector<448x128xi32>
    %and3A_50 = arith.constant 3 : i32
    %and3A_51 = vector.broadcast %and3A_50 : i32 to vector<448x128xi32>
    %and3A_52 = arith.andi %shift_right_arithmetic3A_49, %and3A_51 : vector<448x128xi32>
    %add3A_53 = arith.addi %add3A_47, %and3A_52 : vector<448x128xi32>
    %mul3A_54 = arith.constant 165888 : i32
    %mul3A_55 = arith.muli %arg0, %mul3A_54 : i32
    %add3A_56 = vector.broadcast %mul3A_55 : i32 to vector<448x128xi32>
    %add3A_57 = arith.addi %add3A_53, %add3A_56 : vector<448x128xi32>
    %jit3A_58 = arith.constant 0 : i32
    %broadcast_in_dim3A = vector.broadcast %jit3A_58 : i32 to vector<448x128xi32>
    %select_n3A_59 = arith.select %lt3A_35, %add3A_57, %broadcast_in_dim3A : vector<448x128xi1>, vector<448x128xi32>
    %swap3A = arith.constant 0 : index
    %swap3A_60 = arith.constant 0 : index
    %swap3A_61 = arith.constant 0 : index
    %swap3A_62 = arith.constant 0 : index
    %swap3A_63 = vector.load %arg4[%swap3A, %swap3A_60, %swap3A_61, %swap3A_62] : memref<1x1x448x128xi32, #tpu.memory_space<vmem>>, vector<1x1x448x128xi32>
    %swap3A_64 = vector.shape_cast %swap3A_63 : vector<1x1x448x128xi32> to vector<448x128xi32>
    %swap3A_65 = vector.shape_cast %select_n3A_59 : vector<448x128xi32> to vector<1x1x448x128xi32>
    tpu.vector_store %arg4[%swap3A, %swap3A_60, %swap3A_61, %swap3A_62], %swap3A_65 {strides = array<i32>} : memref<1x1x448x128xi32, #tpu.memory_space<vmem>>, vector<1x1x448x128xi32>,
    %get3A_66 = arith.constant 0 : index
    %get3A_67 = arith.constant 0 : index
    %get3A_68 = vector.load %arg3[%get3A_66, %get3A_67] : memref<8x7168xi32, #tpu.memory_space<vmem>>, vector<8x7168xi32>
    %reshape3A_69 = vector.shape_cast %get3A_68 : vector<8x7168xi32> to vector<8x8x128x7xi32>
    %transpose3A_70 = tpu.transpose %reshape3A_69, [0, 1, 3, 2] : vector<8x8x128x7xi32> -> vector<8x8x7x128xi32>
    %reshape3A_71 = vector.shape_cast %transpose3A_70 : vector<8x8x7x128xi32> to vector<448x128xi32>
    %mul3A_72 = arith.constant 43008 : i32
    %mul3A_73 = arith.muli %arg0, %mul3A_72 : i32
    %add3A_74 = vector.broadcast %mul3A_73 : i32 to vector<448x128xi32>
    %add3A_75 = arith.addi %reshape3A_71, %add3A_74 : vector<448x128xi32>
    %and3A_76 = arith.constant 1023 : i32
    %and3A_77 = vector.broadcast %and3A_76 : i32 to vector<448x128xi32>
    %and3A_78 = arith.andi %add3A_75, %and3A_77 : vector<448x128xi32>
    %and3A_79 = arith.constant 3 : i32
    %and3A_80 = vector.broadcast %and3A_79 : i32 to vector<448x128xi32>
    %and3A_81 = arith.andi %and3A_78, %and3A_80 : vector<448x128xi32>
    %mul3A_82 = arith.constant 7 : i32
    %mul3A_83 = vector.broadcast %mul3A_82 : i32 to vector<448x128xi32>
    %mul3A_84 = arith.muli %mul3A_83, %and3A_81 : vector<448x128xi32>
    %add3A_85 = arith.addi %mul3A_84, %sub3A_26 : vector<448x128xi32>
    %shift_right_arithmetic3A_86 = arith.constant 10 : i32
    %shift_right_arithmetic3A_87 = vector.broadcast %shift_right_arithmetic3A_86 : i32 to vector<448x128xi32>
    %shift_right_arithmetic3A_88 = arith.shrsi %add3A_75, %shift_right_arithmetic3A_87 : vector<448x128xi32>
    %mul3A_89 = arith.constant 7168 : i32
    %mul3A_90 = vector.broadcast %mul3A_89 : i32 to vector<448x128xi32>
    %mul3A_91 = arith.muli %shift_right_arithmetic3A_88, %mul3A_90 : vector<448x128xi32>
    %shift_right_arithmetic3A_92 = arith.constant 2 : i32
    %shift_right_arithmetic3A_93 = vector.broadcast %shift_right_arithmetic3A_92 : i32 to vector<448x128xi32>
    %shift_right_arithmetic3A_94 = arith.shrsi %add3A_85, %shift_right_arithmetic3A_93 : vector<448x128xi32>
    %mul3A_95 = arith.constant 1024 : i32
    %mul3A_96 = vector.broadcast %mul3A_95 : i32 to vector<448x128xi32>
    %mul3A_97 = arith.muli %shift_right_arithmetic3A_94, %mul3A_96 : vector<448x128xi32>
    %add3A_98 = arith.addi %mul3A_91, %mul3A_97 : vector<448x128xi32>
    %shift_right_arithmetic3A_99 = arith.constant 2 : i32
    %shift_right_arithmetic3A_100 = vector.broadcast %shift_right_arithmetic3A_99 : i32 to vector<448x128xi32>
    %shift_right_arithmetic3A_101 = arith.shrsi %and3A_78, %shift_right_arithmetic3A_100 : vector<448x128xi32>
    %mul3A_102 = arith.constant 4 : i32
    %mul3A_103 = vector.broadcast %mul3A_102 : i32 to vector<448x128xi32>
    %mul3A_104 = arith.muli %shift_right_arithmetic3A_101, %mul3A_103 : vector<448x128xi32>
    %add3A_105 = arith.addi %add3A_98, %mul3A_104 : vector<448x128xi32>
    %and3A_106 = arith.constant 3 : i32
    %and3A_107 = vector.broadcast %and3A_106 : i32 to vector<448x128xi32>
    %and3A_108 = arith.andi %add3A_85, %and3A_107 : vector<448x128xi32>
    %add3A_109 = arith.addi %add3A_105, %and3A_108 : vector<448x128xi32>
    %jit3A_110 = arith.constant 0 : i32
    %broadcast_in_dim3A_111 = vector.broadcast %jit3A_110 : i32 to vector<448x128xi32>
    %select_n3A_112 = arith.select %lt3A_35, %add3A_109, %broadcast_in_dim3A_111 : vector<448x128xi1>, vector<448x128xi32>
    %swap3A_113 = arith.constant 0 : index
    %swap3A_114 = arith.constant 0 : index
    %swap3A_115 = arith.constant 0 : index
    %swap3A_116 = arith.constant 0 : index
    %swap3A_117 = vector.load %arg5[%swap3A_113, %swap3A_114, %swap3A_115, %swap3A_116] : memref<1x1x448x128xi32, #tpu.memory_space<vmem>>, vector<1x1x448x128xi32>
    %swap3A_118 = vector.shape_cast %swap3A_117 : vector<1x1x448x128xi32> to vector<448x128xi32>
    %swap3A_119 = vector.shape_cast %select_n3A_112 : vector<448x128xi32> to vector<1x1x448x128xi32>
    tpu.vector_store %arg5[%swap3A_113, %swap3A_114, %swap3A_115, %swap3A_116], %swap3A_119 {strides = array<i32>} : memref<1x1x448x128xi32, #tpu.memory_space<vmem>>, vector<1x1x448x128xi32>,
    return
  }
  func.func @transform_0(%arg0: i32, %arg1: i32) -> (i32, i32) {
    %c0_i32 = arith.constant 0 : i32
    %c0_i32_0 = arith.constant 0 : i32
    return %arg1, %c0_i32 : i32, i32
  }
  func.func @transform_1(%arg0: i32, %arg1: i32) -> (i32, i32) {
    %c0_i32 = arith.constant 0 : i32
    %c0_i32_0 = arith.constant 0 : i32
    return %arg1, %c0_i32 : i32, i32
  }
  func.func @transform_2(%arg0: i32, %arg1: i32) -> (i32, i32, i32, i32) {
    %c0_i32 = arith.constant 0 : i32
    %c0_i32_0 = arith.constant 0 : i32
    %c0_i32_1 = arith.constant 0 : i32
    return %arg0, %arg1, %c0_i32, %c0_i32_0 : i32, i32, i32, i32
  }
  func.func @transform_3(%arg0: i32, %arg1: i32) -> (i32, i32, i32, i32) {
    %c0_i32 = arith.constant 0 : i32
    %c0_i32_0 = arith.constant 0 : i32
    %c0_i32_1 = arith.constant 0 : i32
    return %arg0, %arg1, %c0_i32, %c0_i32_0 : i32, i32, i32, i32
  }
}

module attributes {stable_mosaic.version = 14 : i64} {
  func.func @_mm_body(%arg0: i32, %arg1: memref<256x128xf32, #tpu.memory_space<vmem>>, %arg2: memref<128x896xf32, #tpu.memory_space<vmem>>, %arg3: memref<1792x128xf32, #tpu.memory_space<vmem>>) attributes {dimension_semantics = [#tpu.dimension_semantics<arbitrary>], iteration_bounds = array<i64: 84>, scalar_prefetch = 0 : i64, scratch_operands = 0 : i64, tpu.core_type = #tpu.core_type<tc>, window_params = [{transform_indices = @transform_0, window_bounds = array<i64: 256, 128>}, {pipeline_mode = #tpu.pipeline_mode<synchronous>, transform_indices = @transform_1, window_bounds = array<i64: 128, 896>}, {transform_indices = @transform_2, window_bounds = array<i64: 1792, 128>}]} {
    %get3A = arith.constant 0 : index
    %get3A_0 = arith.constant 0 : index
    %get3A_1 = vector.load %arg1[%get3A, %get3A_0] : memref<256x128xf32, #tpu.memory_space<vmem>>, vector<256x128xf32>
    %get3A_2 = arith.constant 0 : index
    %get3A_3 = arith.constant 0 : index
    %get3A_4 = vector.load %arg2[%get3A_2, %get3A_3] : memref<128x896xf32, #tpu.memory_space<vmem>>, vector<128x896xf32>
    %dot_general3A = arith.constant dense<0.000000e+00> : vector<256x896xf32>
    %dot_general3A_5 = tpu.matmul %get3A_1, %get3A_4, %dot_general3A {dimension_numbers = #tpu.dot_dimension_numbers<[1], [0], [0], [1], [0, 0, 1, 1], [], []>, precision = #tpu.contract_precision<fp32>, transpose_lhs_hint = false} : vector<256x128xf32>, vector<128x896xf32>, vector<256x896xf32> -> vector<256x896xf32>
    %slice3A = vector.extract_strided_slice %dot_general3A_5 {offsets = [0, 0], sizes = [256, 128], strides = [1, 1]} : vector<256x896xf32> to vector<256x128xf32>
    %slice3A_6 = vector.extract_strided_slice %dot_general3A_5 {offsets = [0, 128], sizes = [256, 128], strides = [1, 1]} : vector<256x896xf32> to vector<256x128xf32>
    %slice3A_7 = vector.extract_strided_slice %dot_general3A_5 {offsets = [0, 256], sizes = [256, 128], strides = [1, 1]} : vector<256x896xf32> to vector<256x128xf32>
    %slice3A_8 = vector.extract_strided_slice %dot_general3A_5 {offsets = [0, 384], sizes = [256, 128], strides = [1, 1]} : vector<256x896xf32> to vector<256x128xf32>
    %slice3A_9 = vector.extract_strided_slice %dot_general3A_5 {offsets = [0, 512], sizes = [256, 128], strides = [1, 1]} : vector<256x896xf32> to vector<256x128xf32>
    %slice3A_10 = vector.extract_strided_slice %dot_general3A_5 {offsets = [0, 640], sizes = [256, 128], strides = [1, 1]} : vector<256x896xf32> to vector<256x128xf32>
    %slice3A_11 = vector.extract_strided_slice %dot_general3A_5 {offsets = [0, 768], sizes = [256, 128], strides = [1, 1]} : vector<256x896xf32> to vector<256x128xf32>
    %concatenate3A = tpu.concatenate %slice3A, %slice3A_6, %slice3A_7, %slice3A_8, %slice3A_9, %slice3A_10, %slice3A_11 in 0 : vector<256x128xf32>, vector<256x128xf32>, vector<256x128xf32>, vector<256x128xf32>, vector<256x128xf32>, vector<256x128xf32>, vector<256x128xf32> -> vector<1792x128xf32>
    %swap3A = arith.constant 0 : index
    %swap3A_12 = arith.constant 0 : index
    %swap3A_13 = vector.load %arg3[%swap3A, %swap3A_12] : memref<1792x128xf32, #tpu.memory_space<vmem>>, vector<1792x128xf32>
    tpu.vector_store %arg3[%swap3A, %swap3A_12], %concatenate3A {strides = array<i32>} : memref<1792x128xf32, #tpu.memory_space<vmem>>, vector<1792x128xf32>,
    return
  }
  func.func @transform_0(%arg0: i32) -> (i32, i32) {
    %c0_i32 = arith.constant 0 : i32
    %c0_i32_0 = arith.constant 0 : i32
    return %arg0, %c0_i32 : i32, i32
  }
  func.func @transform_1(%arg0: i32) -> (i32, i32) {
    %c0_i32 = arith.constant 0 : i32
    %c0_i32_0 = arith.constant 0 : i32
    %c0_i32_1 = arith.constant 0 : i32
    return %c0_i32, %c0_i32_0 : i32, i32
  }
  func.func @transform_2(%arg0: i32) -> (i32, i32) {
    %c0_i32 = arith.constant 0 : i32
    %c0_i32_0 = arith.constant 0 : i32
    return %arg0, %c0_i32 : i32, i32
  }
}

module attributes {stable_mosaic.version = 14 : i64} {
  func.func @_stats_body(%arg0: i32, %arg1: i32, %arg2: memref<2688x128xf32, #tpu.memory_space<vmem>>, %arg3: memref<1x8x128xf32, #tpu.memory_space<vmem>>) attributes {dimension_semantics = [#tpu.dimension_semantics<arbitrary>, #tpu.dimension_semantics<arbitrary>], iteration_bounds = array<i64: 2, 4>, scalar_prefetch = 0 : i64, scratch_operands = 0 : i64, tpu.core_type = #tpu.core_type<tc>, window_params = [{transform_indices = @transform_0, window_bounds = array<i64: 2688, 128>}, {transform_indices = @transform_1, window_bounds = array<i64: 1, 8, 128>}]} {
    %get3A = arith.constant 0 : index
    %get3A_0 = arith.constant 0 : index
    %get3A_1 = vector.load %arg2[%get3A, %get3A_0] : memref<2688x128xf32, #tpu.memory_space<vmem>>, vector<2688x128xf32>
    %iota3A = tpu.iota {dimensions = array<i32: 0>} : vector<2688x128xi32>
    %iota3A_2 = tpu.iota {dimensions = array<i32: 1>} : vector<2688x128xi32>
    %mul3A = arith.constant 2688 : i32
    %mul3A_3 = arith.muli %arg1, %mul3A : i32
    %add3A = vector.broadcast %mul3A_3 : i32 to vector<2688x128xi32>
    %add3A_4 = arith.addi %add3A, %iota3A : vector<2688x128xi32>
    %mul3A_5 = arith.constant 4 : i32
    %mul3A_6 = vector.broadcast %mul3A_5 : i32 to vector<2688x128xi32>
    %mul3A_7 = arith.muli %add3A_4, %mul3A_6 : vector<2688x128xi32>
    %jit3A = arith.constant 32 : i32
    %div3A = vector.broadcast %jit3A : i32 to vector<2688x128xi32>
    %div3A_8 = arith.divsi %iota3A_2, %div3A : vector<2688x128xi32>
    %sign3A = arith.constant 0 : i32
    %sign3A_9 = vector.broadcast %sign3A : i32 to vector<2688x128xi32>
    %sign3A_10 = arith.cmpi sgt, %iota3A_2, %sign3A_9 : vector<2688x128xi32>
    %sign3A_11 = arith.extui %sign3A_10 : vector<2688x128xi1> to vector<2688x128xi32>
    %sign3A_12 = arith.constant 0 : i32
    %sign3A_13 = vector.broadcast %sign3A_12 : i32 to vector<2688x128xi32>
    %sign3A_14 = arith.cmpi slt, %iota3A_2, %sign3A_13 : vector<2688x128xi32>
    %sign3A_15 = arith.extui %sign3A_14 : vector<2688x128xi1> to vector<2688x128xi32>
    %sign3A_16 = arith.subi %sign3A_11, %sign3A_15 : vector<2688x128xi32>
    %sign3A_17 = arith.constant 0 : i32
    %sign3A_18 = arith.cmpi sgt, %jit3A, %sign3A_17 : i32
    %sign3A_19 = arith.extui %sign3A_18 : i1 to i32
    %sign3A_20 = arith.constant 0 : i32
    %sign3A_21 = arith.cmpi slt, %jit3A, %sign3A_20 : i32
    %sign3A_22 = arith.extui %sign3A_21 : i1 to i32
    %sign3A_23 = arith.subi %sign3A_19, %sign3A_22 : i32
    %ne3A = vector.broadcast %sign3A_23 : i32 to vector<2688x128xi32>
    %ne3A_24 = arith.cmpi ne, %sign3A_16, %ne3A : vector<2688x128xi32>
    %rem3A = vector.broadcast %jit3A : i32 to vector<2688x128xi32>
    %rem3A_25 = arith.remsi %iota3A_2, %rem3A : vector<2688x128xi32>
    %ne3A_26 = arith.constant 0 : i32
    %ne3A_27 = vector.broadcast %ne3A_26 : i32 to vector<2688x128xi32>
    %ne3A_28 = arith.cmpi ne, %rem3A_25, %ne3A_27 : vector<2688x128xi32>
    %and3A = arith.andi %ne3A_24, %ne3A_28 : vector<2688x128xi1>
    %sub3A = arith.constant 1 : i32
    %sub3A_29 = vector.broadcast %sub3A : i32 to vector<2688x128xi32>
    %sub3A_30 = arith.subi %div3A_8, %sub3A_29 : vector<2688x128xi32>
    %select_n3A = arith.select %and3A, %sub3A_30, %div3A_8 : vector<2688x128xi1>, vector<2688x128xi32>
    %add3A_31 = arith.addi %mul3A_7, %select_n3A : vector<2688x128xi32>
    %lt3A = arith.constant 40962 : i32
    %lt3A_32 = vector.broadcast %lt3A : i32 to vector<2688x128xi32>
    %lt3A_33 = arith.cmpi slt, %add3A_31, %lt3A_32 : vector<2688x128xi32>
    %jit3A_34 = arith.constant 0.000000e+00 : f32
    %broadcast_in_dim3A = vector.broadcast %jit3A_34 : f32 to vector<2688x128xf32>
    %select_n3A_35 = arith.select %lt3A_33, %get3A_1, %broadcast_in_dim3A : vector<2688x128xi1>, vector<2688x128xf32>
    %reduce_sum3A = arith.constant dense<0.000000e+00> : vector<128xf32>
    %reduce_sum3A_36 = vector.multi_reduction <add>, %select_n3A_35, %reduce_sum3A [0] : vector<2688x128xf32> to vector<128xf32>
    %broadcast_in_dim3A_37 = vector.shape_cast %reduce_sum3A_36 : vector<128xf32> to vector<1x128xf32>
    %mul3A_38 = arith.mulf %select_n3A_35, %select_n3A_35 : vector<2688x128xf32>
    %reduce_sum3A_39 = arith.constant dense<0.000000e+00> : vector<128xf32>
    %reduce_sum3A_40 = vector.multi_reduction <add>, %mul3A_38, %reduce_sum3A_39 [0] : vector<2688x128xf32> to vector<128xf32>
    %broadcast_in_dim3A_41 = vector.shape_cast %reduce_sum3A_40 : vector<128xf32> to vector<1x128xf32>
    %broadcast_in_dim3A_42 = arith.constant 0.000000e+00 : f32
    %broadcast_in_dim3A_43 = vector.broadcast %broadcast_in_dim3A_42 : f32 to vector<6x128xf32>
    %concatenate3A = tpu.concatenate %broadcast_in_dim3A_37, %broadcast_in_dim3A_41, %broadcast_in_dim3A_43 in 0 : vector<1x128xf32>, vector<1x128xf32>, vector<6x128xf32> -> vector<8x128xf32>
    %broadcast_in_dim3A_44 = vector.shape_cast %concatenate3A : vector<8x128xf32> to vector<1x8x128xf32>
    %eq3A = arith.constant 0 : i32
    %eq3A_45 = arith.cmpi eq, %arg1, %eq3A : i32
    %convert_element_type3A = arith.extui %eq3A_45 : i1 to i32
    %cond3A = arith.constant 0 : i32
    %cond3A_46 = arith.cmpi ne, %convert_element_type3A, %cond3A : i32
    scf.if %cond3A_46 {
      %swap3A = arith.constant 0 : index
      %swap3A_51 = arith.constant 0 : index
      %swap3A_52 = arith.constant 0 : index
      %swap3A_53 = vector.load %arg3[%swap3A, %swap3A_51, %swap3A_52] : memref<1x8x128xf32, #tpu.memory_space<vmem>>, vector<1x8x128xf32>
      tpu.vector_store %arg3[%swap3A, %swap3A_51, %swap3A_52], %broadcast_in_dim3A_44 {strides = array<i32>} : memref<1x8x128xf32, #tpu.memory_space<vmem>>, vector<1x8x128xf32>,
    } else {
    }
    %gt3A = arith.constant 0 : i32
    %gt3A_47 = arith.cmpi sgt, %arg1, %gt3A : i32
    %convert_element_type3A_48 = arith.extui %gt3A_47 : i1 to i32
    %cond3A_49 = arith.constant 0 : i32
    %cond3A_50 = arith.cmpi ne, %convert_element_type3A_48, %cond3A_49 : i32
    scf.if %cond3A_50 {
      %get3A_51 = arith.constant 0 : index
      %get3A_52 = arith.constant 0 : index
      %get3A_53 = arith.constant 0 : index
      %get3A_54 = vector.load %arg3[%get3A_51, %get3A_52, %get3A_53] : memref<1x8x128xf32, #tpu.memory_space<vmem>>, vector<1x8x128xf32>
      %add3A_55 = arith.addf %get3A_54, %broadcast_in_dim3A_44 : vector<1x8x128xf32>
      %swap3A = arith.constant 0 : index
      %swap3A_56 = arith.constant 0 : index
      %swap3A_57 = arith.constant 0 : index
      %swap3A_58 = vector.load %arg3[%swap3A, %swap3A_56, %swap3A_57] : memref<1x8x128xf32, #tpu.memory_space<vmem>>, vector<1x8x128xf32>
      tpu.vector_store %arg3[%swap3A, %swap3A_56, %swap3A_57], %add3A_55 {strides = array<i32>} : memref<1x8x128xf32, #tpu.memory_space<vmem>>, vector<1x8x128xf32>,
    } else {
    }
    return
  }
  func.func @transform_0(%arg0: i32, %arg1: i32) -> (i32, i32) {
    %mul3A = arith.constant 4 : i32
    %mul3A_0 = arith.muli %arg0, %mul3A : i32
    %add3A = arith.addi %mul3A_0, %arg1 : i32
    %c0_i32 = arith.constant 0 : i32
    %c0_i32_1 = arith.constant 0 : i32
    return %add3A, %c0_i32 : i32, i32
  }
  func.func @transform_1(%arg0: i32, %arg1: i32) -> (i32, i32, i32) {
    %c0_i32 = arith.constant 0 : i32
    %c0_i32_0 = arith.constant 0 : i32
    %c0_i32_1 = arith.constant 0 : i32
    return %arg0, %c0_i32, %c0_i32_0 : i32, i32, i32
  }
}

module attributes {stable_mosaic.version = 14 : i64} {
  func.func @_bnmm_body(%arg0: i32, %arg1: i32, %arg2: memref<256x128xf32, #tpu.memory_space<vmem>>, %arg3: memref<1x8x128xf32, #tpu.memory_space<vmem>>, %arg4: memref<8x128xf32, #tpu.memory_space<vmem>>, %arg5: memref<128x896xf32, #tpu.memory_space<vmem>>, %arg6: memref<1792x128xf32, #tpu.memory_space<vmem>>) attributes {dimension_semantics = [#tpu.dimension_semantics<arbitrary>, #tpu.dimension_semantics<arbitrary>], iteration_bounds = array<i64: 2, 42>, scalar_prefetch = 0 : i64, scratch_operands = 0 : i64, tpu.core_type = #tpu.core_type<tc>, window_params = [{transform_indices = @transform_0, window_bounds = array<i64: 256, 128>}, {transform_indices = @transform_1, window_bounds = array<i64: 1, 8, 128>}, {pipeline_mode = #tpu.pipeline_mode<synchronous>, transform_indices = @transform_2, window_bounds = array<i64: 8, 128>}, {pipeline_mode = #tpu.pipeline_mode<synchronous>, transform_indices = @transform_3, window_bounds = array<i64: 128, 896>}, {transform_indices = @transform_4, window_bounds = array<i64: 1792, 128>}]} {
    %get3A = arith.constant 0 : index
    %get3A_0 = arith.constant 0 : index
    %get3A_1 = arith.constant 0 : index
    %get3A_2 = vector.load %arg3[%get3A, %get3A_0, %get3A_1] : memref<1x8x128xf32, #tpu.memory_space<vmem>>, vector<1x8x128xf32>
    %get3A_3 = vector.shape_cast %get3A_2 : vector<1x8x128xf32> to vector<8x128xf32>
    %slice3A = vector.extract_strided_slice %get3A_3 {offsets = [0, 0], sizes = [1, 128], strides = [1, 1]} : vector<8x128xf32> to vector<1x128xf32>
    %slice3A_4 = vector.extract_strided_slice %slice3A {offsets = [0, 0], sizes = [1, 32], strides = [1, 1]} : vector<1x128xf32> to vector<1x32xf32>
    %slice3A_5 = vector.extract_strided_slice %slice3A {offsets = [0, 32], sizes = [1, 32], strides = [1, 1]} : vector<1x128xf32> to vector<1x32xf32>
    %add3A = arith.addf %slice3A_4, %slice3A_5 : vector<1x32xf32>
    %slice3A_6 = vector.extract_strided_slice %slice3A {offsets = [0, 64], sizes = [1, 32], strides = [1, 1]} : vector<1x128xf32> to vector<1x32xf32>
    %add3A_7 = arith.addf %add3A, %slice3A_6 : vector<1x32xf32>
    %slice3A_8 = vector.extract_strided_slice %slice3A {offsets = [0, 96], sizes = [1, 32], strides = [1, 1]} : vector<1x128xf32> to vector<1x32xf32>
    %add3A_9 = arith.addf %add3A_7, %slice3A_8 : vector<1x32xf32>
    %div3A = arith.constant 4.096200e+04 : f32
    %div3A_10 = vector.broadcast %div3A : f32 to vector<1x32xf32>
    %div3A_11 = arith.divf %add3A_9, %div3A_10 : vector<1x32xf32>
    %slice3A_12 = vector.extract_strided_slice %get3A_3 {offsets = [1, 0], sizes = [1, 128], strides = [1, 1]} : vector<8x128xf32> to vector<1x128xf32>
    %slice3A_13 = vector.extract_strided_slice %slice3A_12 {offsets = [0, 0], sizes = [1, 32], strides = [1, 1]} : vector<1x128xf32> to vector<1x32xf32>
    %slice3A_14 = vector.extract_strided_slice %slice3A_12 {offsets = [0, 32], sizes = [1, 32], strides = [1, 1]} : vector<1x128xf32> to vector<1x32xf32>
    %add3A_15 = arith.addf %slice3A_13, %slice3A_14 : vector<1x32xf32>
    %slice3A_16 = vector.extract_strided_slice %slice3A_12 {offsets = [0, 64], sizes = [1, 32], strides = [1, 1]} : vector<1x128xf32> to vector<1x32xf32>
    %add3A_17 = arith.addf %add3A_15, %slice3A_16 : vector<1x32xf32>
    %slice3A_18 = vector.extract_strided_slice %slice3A_12 {offsets = [0, 96], sizes = [1, 32], strides = [1, 1]} : vector<1x128xf32> to vector<1x32xf32>
    %add3A_19 = arith.addf %add3A_17, %slice3A_18 : vector<1x32xf32>
    %div3A_20 = arith.constant 4.096200e+04 : f32
    %div3A_21 = vector.broadcast %div3A_20 : f32 to vector<1x32xf32>
    %div3A_22 = arith.divf %add3A_19, %div3A_21 : vector<1x32xf32>
    %mul3A = arith.mulf %div3A_11, %div3A_11 : vector<1x32xf32>
    %sub3A = arith.subf %div3A_22, %mul3A : vector<1x32xf32>
    %get3A_23 = arith.constant 0 : index
    %get3A_24 = arith.constant 0 : index
    %get3A_25 = vector.load %arg4[%get3A_23, %get3A_24] : memref<8x128xf32, #tpu.memory_space<vmem>>, vector<1x32xf32>
    %add3A_26 = arith.constant 9.99999974E-6 : f32
    %add3A_27 = vector.broadcast %add3A_26 : f32 to vector<1x32xf32>
    %add3A_28 = arith.addf %sub3A, %add3A_27 : vector<1x32xf32>
    %rsqrt3A = math.rsqrt %add3A_28 : vector<1x32xf32>
    %mul3A_29 = arith.mulf %get3A_25, %rsqrt3A : vector<1x32xf32>
    %get3A_30 = arith.constant 1 : index
    %get3A_31 = arith.constant 0 : index
    %get3A_32 = vector.load %arg4[%get3A_30, %get3A_31] : memref<8x128xf32, #tpu.memory_space<vmem>>, vector<1x32xf32>
    %mul3A_33 = arith.mulf %div3A_11, %mul3A_29 : vector<1x32xf32>
    %sub3A_34 = arith.subf %get3A_32, %mul3A_33 : vector<1x32xf32>
    %concatenate3A = tpu.concatenate %mul3A_29, %mul3A_29, %mul3A_29, %mul3A_29 in 1 : vector<1x32xf32>, vector<1x32xf32>, vector<1x32xf32>, vector<1x32xf32> -> vector<1x128xf32>
    %concatenate3A_35 = tpu.concatenate %sub3A_34, %sub3A_34, %sub3A_34, %sub3A_34 in 1 : vector<1x32xf32>, vector<1x32xf32>, vector<1x32xf32>, vector<1x32xf32> -> vector<1x128xf32>
    %get3A_36 = arith.constant 0 : index
    %get3A_37 = arith.constant 0 : index
    %get3A_38 = vector.load %arg2[%get3A_36, %get3A_37] : memref<256x128xf32, #tpu.memory_space<vmem>>, vector<256x128xf32>
    %mul3A_39 = vector.broadcast %concatenate3A : vector<1x128xf32> to vector<256x128xf32>
    %mul3A_40 = arith.mulf %get3A_38, %mul3A_39 : vector<256x128xf32>
    %add3A_41 = vector.broadcast %concatenate3A_35 : vector<1x128xf32> to vector<256x128xf32>
    %add3A_42 = arith.addf %mul3A_40, %add3A_41 : vector<256x128xf32>
    %ge3A = arith.constant 0.000000e+00 : f32
    %ge3A_43 = vector.broadcast %ge3A : f32 to vector<256x128xf32>
    %ge3A_44 = arith.cmpf oge, %add3A_42, %ge3A_43 : vector<256x128xf32>
    %mul3A_45 = arith.constant 2.000000e-01 : f32
    %mul3A_46 = vector.broadcast %mul3A_45 : f32 to vector<256x128xf32>
    %mul3A_47 = arith.mulf %mul3A_46, %add3A_42 : vector<256x128xf32>
    %select_n3A = arith.select %ge3A_44, %add3A_42, %mul3A_47 : vector<256x128xi1>, vector<256x128xf32>
    %get3A_48 = arith.constant 0 : index
    %get3A_49 = arith.constant 0 : index
    %get3A_50 = vector.load %arg5[%get3A_48, %get3A_49] : memref<128x896xf32, #tpu.memory_space<vmem>>, vector<128x896xf32>
    %dot_general3A = arith.constant dense<0.000000e+00> : vector<256x896xf32>
    %dot_general3A_51 = tpu.matmul %select_n3A, %get3A_50, %dot_general3A {dimension_numbers = #tpu.dot_dimension_numbers<[1], [0], [0], [1], [0, 0, 1, 1], [], []>, precision = #tpu.contract_precision<fp32>, transpose_lhs_hint = false} : vector<256x128xf32>, vector<128x896xf32>, vector<256x896xf32> -> vector<256x896xf32>
    %slice3A_52 = vector.extract_strided_slice %dot_general3A_51 {offsets = [0, 0], sizes = [256, 128], strides = [1, 1]} : vector<256x896xf32> to vector<256x128xf32>
    %slice3A_53 = vector.extract_strided_slice %dot_general3A_51 {offsets = [0, 128], sizes = [256, 128], strides = [1, 1]} : vector<256x896xf32> to vector<256x128xf32>
    %slice3A_54 = vector.extract_strided_slice %dot_general3A_51 {offsets = [0, 256], sizes = [256, 128], strides = [1, 1]} : vector<256x896xf32> to vector<256x128xf32>
    %slice3A_55 = vector.extract_strided_slice %dot_general3A_51 {offsets = [0, 384], sizes = [256, 128], strides = [1, 1]} : vector<256x896xf32> to vector<256x128xf32>
    %slice3A_56 = vector.extract_strided_slice %dot_general3A_51 {offsets = [0, 512], sizes = [256, 128], strides = [1, 1]} : vector<256x896xf32> to vector<256x128xf32>
    %slice3A_57 = vector.extract_strided_slice %dot_general3A_51 {offsets = [0, 640], sizes = [256, 128], strides = [1, 1]} : vector<256x896xf32> to vector<256x128xf32>
    %slice3A_58 = vector.extract_strided_slice %dot_general3A_51 {offsets = [0, 768], sizes = [256, 128], strides = [1, 1]} : vector<256x896xf32> to vector<256x128xf32>
    %concatenate3A_59 = tpu.concatenate %slice3A_52, %slice3A_53, %slice3A_54, %slice3A_55, %slice3A_56, %slice3A_57, %slice3A_58 in 0 : vector<256x128xf32>, vector<256x128xf32>, vector<256x128xf32>, vector<256x128xf32>, vector<256x128xf32>, vector<256x128xf32>, vector<256x128xf32> -> vector<1792x128xf32>
    %swap3A = arith.constant 0 : index
    %swap3A_60 = arith.constant 0 : index
    %swap3A_61 = vector.load %arg6[%swap3A, %swap3A_60] : memref<1792x128xf32, #tpu.memory_space<vmem>>, vector<1792x128xf32>
    tpu.vector_store %arg6[%swap3A, %swap3A_60], %concatenate3A_59 {strides = array<i32>} : memref<1792x128xf32, #tpu.memory_space<vmem>>, vector<1792x128xf32>,
    return
  }
  func.func @transform_0(%arg0: i32, %arg1: i32) -> (i32, i32) {
    %mul3A = arith.constant 42 : i32
    %mul3A_0 = arith.muli %arg0, %mul3A : i32
    %add3A = arith.addi %mul3A_0, %arg1 : i32
    %c0_i32 = arith.constant 0 : i32
    %c0_i32_1 = arith.constant 0 : i32
    return %add3A, %c0_i32 : i32, i32
  }
  func.func @transform_1(%arg0: i32, %arg1: i32) -> (i32, i32, i32) {
    %c0_i32 = arith.constant 0 : i32
    %c0_i32_0 = arith.constant 0 : i32
    %c0_i32_1 = arith.constant 0 : i32
    return %arg0, %c0_i32, %c0_i32_0 : i32, i32, i32
  }
  func.func @transform_2(%arg0: i32, %arg1: i32) -> (i32, i32) {
    %c0_i32 = arith.constant 0 : i32
    %c0_i32_0 = arith.constant 0 : i32
    %c0_i32_1 = arith.constant 0 : i32
    return %c0_i32, %c0_i32_0 : i32, i32
  }
  func.func @transform_3(%arg0: i32, %arg1: i32) -> (i32, i32) {
    %c0_i32 = arith.constant 0 : i32
    %c0_i32_0 = arith.constant 0 : i32
    %c0_i32_1 = arith.constant 0 : i32
    return %c0_i32, %c0_i32_0 : i32, i32
  }
  func.func @transform_4(%arg0: i32, %arg1: i32) -> (i32, i32) {
    %mul3A = arith.constant 42 : i32
    %mul3A_0 = arith.muli %arg0, %mul3A : i32
    %add3A = arith.addi %mul3A_0, %arg1 : i32
    %c0_i32 = arith.constant 0 : i32
    %c0_i32_1 = arith.constant 0 : i32
    return %add3A, %c0_i32 : i32, i32
  }
}

module attributes {stable_mosaic.version = 14 : i64} {
  func.func @_final_body(%arg0: i32, %arg1: i32, %arg2: memref<256x128xf32, #tpu.memory_space<vmem>>, %arg3: memref<1x8x128xf32, #tpu.memory_space<vmem>>, %arg4: memref<8x128xf32, #tpu.memory_space<vmem>>, %arg5: memref<1x32x1024xf32, #tpu.memory_space<vmem>>) attributes {dimension_semantics = [#tpu.dimension_semantics<arbitrary>, #tpu.dimension_semantics<arbitrary>], iteration_bounds = array<i64: 2, 41>, scalar_prefetch = 0 : i64, scratch_operands = 0 : i64, tpu.core_type = #tpu.core_type<tc>, window_params = [{transform_indices = @transform_0, window_bounds = array<i64: 256, 128>}, {transform_indices = @transform_1, window_bounds = array<i64: 1, 8, 128>}, {pipeline_mode = #tpu.pipeline_mode<synchronous>, transform_indices = @transform_2, window_bounds = array<i64: 8, 128>}, {transform_indices = @transform_3, window_bounds = array<i64: 1, 32, 1024>}]} {
    %get3A = arith.constant 0 : index
    %get3A_0 = arith.constant 0 : index
    %get3A_1 = arith.constant 0 : index
    %get3A_2 = vector.load %arg3[%get3A, %get3A_0, %get3A_1] : memref<1x8x128xf32, #tpu.memory_space<vmem>>, vector<1x8x128xf32>
    %get3A_3 = vector.shape_cast %get3A_2 : vector<1x8x128xf32> to vector<8x128xf32>
    %slice3A = vector.extract_strided_slice %get3A_3 {offsets = [0, 0], sizes = [1, 128], strides = [1, 1]} : vector<8x128xf32> to vector<1x128xf32>
    %slice3A_4 = vector.extract_strided_slice %slice3A {offsets = [0, 0], sizes = [1, 32], strides = [1, 1]} : vector<1x128xf32> to vector<1x32xf32>
    %slice3A_5 = vector.extract_strided_slice %slice3A {offsets = [0, 32], sizes = [1, 32], strides = [1, 1]} : vector<1x128xf32> to vector<1x32xf32>
    %add3A = arith.addf %slice3A_4, %slice3A_5 : vector<1x32xf32>
    %slice3A_6 = vector.extract_strided_slice %slice3A {offsets = [0, 64], sizes = [1, 32], strides = [1, 1]} : vector<1x128xf32> to vector<1x32xf32>
    %add3A_7 = arith.addf %add3A, %slice3A_6 : vector<1x32xf32>
    %slice3A_8 = vector.extract_strided_slice %slice3A {offsets = [0, 96], sizes = [1, 32], strides = [1, 1]} : vector<1x128xf32> to vector<1x32xf32>
    %add3A_9 = arith.addf %add3A_7, %slice3A_8 : vector<1x32xf32>
    %div3A = arith.constant 4.096200e+04 : f32
    %div3A_10 = vector.broadcast %div3A : f32 to vector<1x32xf32>
    %div3A_11 = arith.divf %add3A_9, %div3A_10 : vector<1x32xf32>
    %slice3A_12 = vector.extract_strided_slice %get3A_3 {offsets = [1, 0], sizes = [1, 128], strides = [1, 1]} : vector<8x128xf32> to vector<1x128xf32>
    %slice3A_13 = vector.extract_strided_slice %slice3A_12 {offsets = [0, 0], sizes = [1, 32], strides = [1, 1]} : vector<1x128xf32> to vector<1x32xf32>
    %slice3A_14 = vector.extract_strided_slice %slice3A_12 {offsets = [0, 32], sizes = [1, 32], strides = [1, 1]} : vector<1x128xf32> to vector<1x32xf32>
    %add3A_15 = arith.addf %slice3A_13, %slice3A_14 : vector<1x32xf32>
    %slice3A_16 = vector.extract_strided_slice %slice3A_12 {offsets = [0, 64], sizes = [1, 32], strides = [1, 1]} : vector<1x128xf32> to vector<1x32xf32>
    %add3A_17 = arith.addf %add3A_15, %slice3A_16 : vector<1x32xf32>
    %slice3A_18 = vector.extract_strided_slice %slice3A_12 {offsets = [0, 96], sizes = [1, 32], strides = [1, 1]} : vector<1x128xf32> to vector<1x32xf32>
    %add3A_19 = arith.addf %add3A_17, %slice3A_18 : vector<1x32xf32>
    %div3A_20 = arith.constant 4.096200e+04 : f32
    %div3A_21 = vector.broadcast %div3A_20 : f32 to vector<1x32xf32>
    %div3A_22 = arith.divf %add3A_19, %div3A_21 : vector<1x32xf32>
    %mul3A = arith.mulf %div3A_11, %div3A_11 : vector<1x32xf32>
    %sub3A = arith.subf %div3A_22, %mul3A : vector<1x32xf32>
    %get3A_23 = arith.constant 0 : index
    %get3A_24 = arith.constant 0 : index
    %get3A_25 = vector.load %arg4[%get3A_23, %get3A_24] : memref<8x128xf32, #tpu.memory_space<vmem>>, vector<1x32xf32>
    %add3A_26 = arith.constant 9.99999974E-6 : f32
    %add3A_27 = vector.broadcast %add3A_26 : f32 to vector<1x32xf32>
    %add3A_28 = arith.addf %sub3A, %add3A_27 : vector<1x32xf32>
    %rsqrt3A = math.rsqrt %add3A_28 : vector<1x32xf32>
    %mul3A_29 = arith.mulf %get3A_25, %rsqrt3A : vector<1x32xf32>
    %get3A_30 = arith.constant 1 : index
    %get3A_31 = arith.constant 0 : index
    %get3A_32 = vector.load %arg4[%get3A_30, %get3A_31] : memref<8x128xf32, #tpu.memory_space<vmem>>, vector<1x32xf32>
    %mul3A_33 = arith.mulf %div3A_11, %mul3A_29 : vector<1x32xf32>
    %sub3A_34 = arith.subf %get3A_32, %mul3A_33 : vector<1x32xf32>
    %concatenate3A = tpu.concatenate %mul3A_29, %mul3A_29, %mul3A_29, %mul3A_29 in 1 : vector<1x32xf32>, vector<1x32xf32>, vector<1x32xf32>, vector<1x32xf32> -> vector<1x128xf32>
    %concatenate3A_35 = tpu.concatenate %sub3A_34, %sub3A_34, %sub3A_34, %sub3A_34 in 1 : vector<1x32xf32>, vector<1x32xf32>, vector<1x32xf32>, vector<1x32xf32> -> vector<1x128xf32>
    %get3A_36 = arith.constant 0 : index
    %get3A_37 = arith.constant 0 : index
    %get3A_38 = vector.load %arg2[%get3A_36, %get3A_37] : memref<256x128xf32, #tpu.memory_space<vmem>>, vector<256x128xf32>
    %mul3A_39 = vector.broadcast %concatenate3A : vector<1x128xf32> to vector<256x128xf32>
    %mul3A_40 = arith.mulf %get3A_38, %mul3A_39 : vector<256x128xf32>
    %add3A_41 = vector.broadcast %concatenate3A_35 : vector<1x128xf32> to vector<256x128xf32>
    %add3A_42 = arith.addf %mul3A_40, %add3A_41 : vector<256x128xf32>
    %ge3A = arith.constant 0.000000e+00 : f32
    %ge3A_43 = vector.broadcast %ge3A : f32 to vector<256x128xf32>
    %ge3A_44 = arith.cmpf oge, %add3A_42, %ge3A_43 : vector<256x128xf32>
    %mul3A_45 = arith.constant 2.000000e-01 : f32
    %mul3A_46 = vector.broadcast %mul3A_45 : f32 to vector<256x128xf32>
    %mul3A_47 = arith.mulf %mul3A_46, %add3A_42 : vector<256x128xf32>
    %select_n3A = arith.select %ge3A_44, %add3A_42, %mul3A_47 : vector<256x128xi1>, vector<256x128xf32>
    %slice3A_48 = vector.extract_strided_slice %select_n3A {offsets = [0, 0], sizes = [256, 32], strides = [1, 1]} : vector<256x128xf32> to vector<256x32xf32>
    %transpose3A = tpu.transpose %slice3A_48, [1, 0] : vector<256x32xf32> -> vector<32x256xf32>
    %slice3A_49 = vector.extract_strided_slice %select_n3A {offsets = [0, 32], sizes = [256, 32], strides = [1, 1]} : vector<256x128xf32> to vector<256x32xf32>
    %transpose3A_50 = tpu.transpose %slice3A_49, [1, 0] : vector<256x32xf32> -> vector<32x256xf32>
    %slice3A_51 = vector.extract_strided_slice %select_n3A {offsets = [0, 64], sizes = [256, 32], strides = [1, 1]} : vector<256x128xf32> to vector<256x32xf32>
    %transpose3A_52 = tpu.transpose %slice3A_51, [1, 0] : vector<256x32xf32> -> vector<32x256xf32>
    %slice3A_53 = vector.extract_strided_slice %select_n3A {offsets = [0, 96], sizes = [256, 32], strides = [1, 1]} : vector<256x128xf32> to vector<256x32xf32>
    %transpose3A_54 = tpu.transpose %slice3A_53, [1, 0] : vector<256x32xf32> -> vector<32x256xf32>
    %stack3A = vector.shape_cast %transpose3A : vector<32x256xf32> to vector<32x256x1xf32>
    %stack3A_55 = vector.shape_cast %transpose3A_50 : vector<32x256xf32> to vector<32x256x1xf32>
    %stack3A_56 = vector.shape_cast %transpose3A_52 : vector<32x256xf32> to vector<32x256x1xf32>
    %stack3A_57 = vector.shape_cast %transpose3A_54 : vector<32x256xf32> to vector<32x256x1xf32>
    %stack3A_58 = tpu.concatenate %stack3A, %stack3A_55, %stack3A_56, %stack3A_57 in 2 : vector<32x256x1xf32>, vector<32x256x1xf32>, vector<32x256x1xf32>, vector<32x256x1xf32> -> vector<32x256x4xf32>
    %reshape3A = vector.shape_cast %stack3A_58 : vector<32x256x4xf32> to vector<32x1024xf32>
    %broadcast_in_dim3A = vector.shape_cast %reshape3A : vector<32x1024xf32> to vector<1x32x1024xf32>
    %swap3A = arith.constant 0 : index
    %swap3A_59 = arith.constant 0 : index
    %swap3A_60 = arith.constant 0 : index
    %swap3A_61 = vector.load %arg5[%swap3A, %swap3A_59, %swap3A_60] : memref<1x32x1024xf32, #tpu.memory_space<vmem>>, vector<1x32x1024xf32>
    tpu.vector_store %arg5[%swap3A, %swap3A_59, %swap3A_60], %broadcast_in_dim3A {strides = array<i32>} : memref<1x32x1024xf32, #tpu.memory_space<vmem>>, vector<1x32x1024xf32>,
    return
  }
  func.func @transform_0(%arg0: i32, %arg1: i32) -> (i32, i32) {
    %mul3A = arith.constant 42 : i32
    %mul3A_0 = arith.muli %arg0, %mul3A : i32
    %add3A = arith.addi %mul3A_0, %arg1 : i32
    %c0_i32 = arith.constant 0 : i32
    %c0_i32_1 = arith.constant 0 : i32
    return %add3A, %c0_i32 : i32, i32
  }
  func.func @transform_1(%arg0: i32, %arg1: i32) -> (i32, i32, i32) {
    %c0_i32 = arith.constant 0 : i32
    %c0_i32_0 = arith.constant 0 : i32
    %c0_i32_1 = arith.constant 0 : i32
    return %arg0, %c0_i32, %c0_i32_0 : i32, i32, i32
  }
  func.func @transform_2(%arg0: i32, %arg1: i32) -> (i32, i32) {
    %c0_i32 = arith.constant 0 : i32
    %c0_i32_0 = arith.constant 0 : i32
    %c0_i32_1 = arith.constant 0 : i32
    return %c0_i32, %c0_i32_0 : i32, i32
  }
  func.func @transform_3(%arg0: i32, %arg1: i32) -> (i32, i32, i32) {
    %c0_i32 = arith.constant 0 : i32
    %c0_i32_0 = arith.constant 0 : i32
    return %arg0, %c0_i32, %arg1 : i32, i32, i32
  }
}

</mosaic_0001>

<sc_bundles>
// kernel: kernel.12.cloned.1.call-start
scs
__scs_entry_jumppad:
0x0: {  	(pc) =	sbr.rel $0x88, $3  }
0x1: {  	(tag) =	ssettag $0x0;
	lr =	simm.s32 $0x1  }
0x2: {  	[smem:$0x3F98] =	sst lr;
	_ =	strace $0xD0000000  }
0x3: {  	_ = 	snop  }
0x4: {  	_ = 	snop  }
0x5: {  	_ = 	snop  }
0x6: {  	_ = 	snop  }
0x7: {  	_ = 	snop  }
__scs_overlays_trampoline_lowered:
0x8: {  	[smem:$0x3FA7] =	sst s0  }
0x9: {  	[smem:$0x3FA8] =	sst s1  }
0xa: {  	[smem:$0x3FA9] =	sst s2  }
0xb: {  	[smem:$0x3FAA] =	sst s3  }
0xc: {  	[smem:$0x3FAB] =	sst s4  }
0xd: {  	[smem:$0x3FAC] =	sst s5  }
0xe: {  	[smem:$0x3FAD] =	sst s6  }
0xf: {  	[smem:$0x3FAE] =	sst s7  }
0x10: {  	[smem:$0x3FAF] =	sst s8  }
0x11: {  	[smem:$0x3FB0] =	sst s9;
	s0 =	simm.s32 @!p0 $0x0  }
0x12: {  	s1 =	sld [smem:$0x3F96];
	s0 =	simm.s32 @p0 $0x1  }
0x13: {  	[smem:$0x3FB1] =	sst s0;
	s0 =	simm.s32 @!p1 $0x0  }
0x14: {  	s2 =	sld [smem:$0x3F95];
	s0 =	simm.s32 @p1 $0x1  }
0x15: {  	[smem:$0x3FB2] =	sst s0;
	s0 =	simm.s32 @!p2 $0x0  }
0x16: {  	s3 =	sld [smem:$0x3FDB];
	s0 =	simm.s32 @p2 $0x1  }
0x17: {  	s4 =	simm.s32 $0x1BF5;
	[smem:$0x3FB4] =	sst s0  }
0x18: {  	s0 =	sld [smem:$0x3F97];
	_ =	swait.ge [sflag:s4], $0x0  }
0x19: {  	s7 =	sld [smem:$0x3F98]  }
0x1a: {  	s8 =	sadd.s32 $0xFFFFE003, lr  }
0x1b: {  	s9 =	sadd.s32 $0xFFFFFEF7, lr;
	s5 =	simm.s32 $0xFFFFFFFF;
	p2 =	slt.u32 s8, $0xFFFFF086  }
0x1c: {  	p1 =	slt.u32 s9, $0xF7A;
	s5 =	simm.s32 @!p2 $0x0  }
0x1d: {  	s5 =	simm.s32 @p1 $0x1;
	p0 =	seq.s32 s7, s2  }
0x1e: {  	s7 =	smul.u32 @!p0 $0xF7A, s2;
	p2 =	seq.s32 @!p0 s5, $0x0  }
0x1f: {  	s9 =	smul.u32 $0xF7A, s1;
	s8 =	simm.s32 @!p0 $0x1BF5;
	p2 =	por !p2, p0  }
0x20: {  	[sflag:s8] =	ssyncset.s32 @!p0 $0xFFFFF086;
	s6 =	sadd.s32 @!p0 s3, s7;
	s7 =	simm.s32 @!p0 $0x108  }
0x21: {  	s3 =	sadd.s32 s3, s9;
	s6 =	sadd.s32 @!p0 $0x88, s6;
	s7 =	simm.s32 @p2 $0x1082  }
0x22: {  	[simem:s7], [sflag:s8] =	dma.local @!p0 [hbm:s6], $0xF7A  }
0x23: {  	s9 =	sor.u32 $0xD0000000, s2;
	s6 =	simm.s32 $0x108;
	_ =	swait.ge @!p0 [sflag:s8], $0x0  }
0x24: {  	s3 =	sadd.s32 $0x88, s3;
	s6 =	simm.s32 @!p1 $0x1082;
	[sflag:s4] =	ssyncset.s32 $0xFFFFF086  }
0x25: {  	[simem:s6], [sflag:s4] =	dma.local [hbm:s3], $0xF7A  }
0x26: {  	[smem:$0x3F98] =	sst s1;
	(tag) =	ssettag s2;
	_ =	strace s9  }
0x27: {  	s1 =	sld [smem:$0x3FA8]  }
0x28: {  	s2 =	sld [smem:$0x3FA9]  }
0x29: {  	s4 =	sld [smem:$0x3FAB]  }
0x2a: {  	p0 =	seq.s32 s5, $0x0;
	s5 =	sld [smem:$0x3FAC]  }
0x2b: {  	s6 =	sld [smem:$0x3FAD]  }
0x2c: {  	s7 =	sld [smem:$0x3FAE]  }
0x2d: {  	s3 =	simm.s32 $0x108;
	s8 =	sld [smem:$0x3FAF]  }
0x2e: {  	s3 =	simm.s32 @!p0 $0x1082;
	s9 =	sld [smem:$0x3FB0]  }
0x2f: {  	lr =	sadd.s32 s0, s3;
	s0 =	sld [smem:$0x3FA7]  }
0x30: {  	s3 =	sld [smem:$0x3FAA]  }
0x31: {  	[smem:$0x3FB3] =	sst s10  }
0x32: {  	s10 =	sld [smem:$0x3FB1];
	_ =	sdelay $0x3  }
0x33: {  	p0 =	seq.s32 s10, $0x1;
	s10 =	sld [smem:$0x3FB3];
	_ =	sdelay $0x3  }
0x34: {  	[smem:$0x3FB3] =	sst s10  }
0x35: {  	s10 =	sld [smem:$0x3FB2];
	_ =	sdelay $0x3  }
0x36: {  	p1 =	seq.s32 s10, $0x1;
	s10 =	sld [smem:$0x3FB3];
	_ =	sdelay $0x3  }
0x37: {  	[smem:$0x3FB3] =	sst s10  }
0x38: {  	s10 =	sld [smem:$0x3FB4]  }
0x39: {  	_ = 	snop;
	(pc) =	sbr.ind lr, $3  }
0x3a: {  	_ = 	snop  }
0x3b: {  	_ = 	snop  }
0x3c: {  	p2 =	seq.s32 s10, $0x1;
	s10 =	sld [smem:$0x3FB3]  }
0x3d: {  	_ =	shalt  }
0x3e: {  	_ =	shalt  }
0x3f: {  	_ =	shalt  }
0x40: {  	_ =	shalt  }
0x41: {  	_ =	shalt  }
0x42: {  	_ =	shalt  }
0x43: {  	_ =	shalt  }
0x44: {  	_ =	shalt  }
0x45: {  	_ =	shalt  }
0x46: {  	_ =	shalt  }
0x47: {  	_ =	shalt  }
0x48: {  	_ =	shalt  }
0x49: {  	_ =	shalt  }
0x4a: {  	_ =	shalt  }
0x4b: {  	_ =	shalt  }
0x4c: {  	_ =	shalt  }
0x4d: {  	_ =	shalt  }
0x4e: {  	_ =	shalt  }
0x4f: {  	_ =	shalt  }
0x50: {  	_ =	shalt  }
0x51: {  	_ =	shalt  }
0x52: {  	_ =	shalt  }
0x53: {  	_ =	shalt  }
0x54: {  	_ =	shalt  }
0x55: {  	_ =	shalt  }
0x56: {  	_ =	shalt  }
0x57: {  	_ =	shalt  }
0x58: {  	_ =	shalt  }
0x59: {  	_ =	shalt  }
0x5a: {  	_ =	shalt  }
0x5b: {  	_ =	shalt  }
0x5c: {  	_ =	shalt  }
0x5d: {  	_ =	shalt  }
0x5e: {  	_ =	shalt  }
0x5f: {  	_ =	shalt  }
0x60: {  	_ =	shalt  }
0x61: {  	_ =	shalt  }
0x62: {  	_ =	shalt  }
0x63: {  	_ =	shalt  }
0x64: {  	_ =	shalt  }
0x65: {  	_ =	shalt  }
0x66: {  	_ =	shalt  }
0x67: {  	_ =	shalt  }
0x68: {  	_ =	shalt  }
0x69: {  	_ =	shalt  }
0x6a: {  	_ =	shalt  }
0x6b: {  	_ =	shalt  }
0x6c: {  	_ =	shalt  }
0x6d: {  	_ =	shalt  }
0x6e: {  	_ =	shalt  }
0x6f: {  	_ =	shalt  }
0x70: {  	_ =	shalt  }
0x71: {  	_ =	shalt  }
0x72: {  	_ =	shalt  }
0x73: {  	_ =	shalt  }
0x74: {  	_ =	shalt  }
0x75: {  	_ =	shalt  }
0x76: {  	_ =	shalt  }
0x77: {  	_ =	shalt  }
0x78: {  	_ =	shalt  }
0x79: {  	_ =	shalt  }
0x7a: {  	_ =	shalt  }
0x7b: {  	_ =	shalt  }
0x7c: {  	_ =	shalt  }
0x7d: {  	_ =	shalt  }
0x7e: {  	_ =	shalt  }
0x7f: {  	_ =	shalt  }
0x80: {  	_ =	shalt  }
0x81: {  	_ =	shalt  }
0x82: {  	_ =	shalt  }
0x83: {  	_ =	shalt  }
0x84: {  	_ =	shalt  }
0x85: {  	_ =	shalt  }
0x86: {  	_ =	shalt  }
0x87: {  	_ =	shalt  }
.Lfunc_end0:
.L_simem_size_0:
called_computation_lowered:
.L_overlay_start_0:
0x88: {  	s2 =	sld [smem:$0x3FD9]  }
0x89: {  	s3 =	sld [smem:$0x3FFE];
	_ =	sdelay $0x1  }
0x8a: {  	s1 =	srdreg.scid  }
0x8b: {  	s0 =	sand.u32 $0x1, s1  }
0x8c: {  	s17 =	sshll.u32 s0, $0xA;
	s2 =	sadd.s32 s3, s2  }
0x8d: {  	s2 =	sadd.s32 s2, s17  }
0x8e: {  	[smem:$0x3FBF] =	sst s2  }
0x8f: {  	_ = 	snop  }
0x90: {  	s2 =	sld [smem:$0x3FD0];
	(tm) =	ssettm $0x1  }
0x91: {  	s18 =	sld [smem:$0x3FFB];
	_ =	sdelay $0x3  }
0x92: {  	_ =	strace s18  }
0x93: {  	s3 =	sld [smem:$0x3FFC];
	_ =	sdelay $0x3  }
0x94: {  	_ =	strace s3  }
0x95: {  	s3 =	sld [smem:$0x3FFD];
	_ =	sdelay $0x3  }
0x96: {  	_ =	strace s3  }
0x97: {  	_ =	strace $0x8FFFFFFF  }
0x98: {  	s19 =	sld [smem:$0x3FDB];
	_ =	sdelay $0x1  }
0x99: {  	s4 =	simm.s32 $_scs_section_size  }
0x9a: {  	s5 =	simm.s32 $_size__tile_overlayer_lowered;
	s6 =	simm.s32 $_tile_overlayer_lowered  }
0x9b: {  	s22 =	simm.s32 $0x1BFF;
	s21 =	sshll.u32 s6, $0x1;
	s3 =	sadd.s32 s4, s19  }
0x9c: {  	s7 =	simm.s32 $0x0;
	s20 =	sshll.u32 s5, $0x1;
	s5 =	sadd.s32 s21, s3  }
0x9d: {  	[timem:s7], [sflag:s22] =	dma.local [hbm:s5], s20  }
0x9e: {  	_ =	swait.ge [sflag:s22], s20  }
0x9f: {  	s4 =	ssub.s32 $0x0, s20;
	[sflag:s22] =	ssyncset.done $0x0  }
0xa0: {  	[sflag:s22] =	ssyncadd.s32 s4;
	_ =	sdelay $0x1  }
0xa1: {  	s23 =	simm.s32 $0x1B8B  }
0xa2: {  	_ =	swait.ge [sflag:s23], $0x1  }
0xa3: {  	[sflag:s23] =	ssyncset.done $0x0  }
0xa4: {  	s25 =	simm.s32 $0x1B8E;
	s24 =	sld [smem:$0x3FFE];
	[sflag:s23] =	ssyncadd.s32 $0xFFFFFFFF  }
0xa5: {  	s26 =	simm.s32 $execute0_lowered;
	[smem:$0x3FD2] =	sst s25  }
0xa6: {  	s5 =	sshll.u32 s26, $0x1;
	_ =	strace $0x80000046;
	[dreg:$0x1] =	wrdreg $0xFFFFFFFF  }
0xa7: {  	s28 =	simm.s32 $_size_execute0_lowered;
	s3 =	sadd.s32 s3, s5;
	[dreg:$0x0] =	wrdreg $0x0  }
0xa8: {  	s5 =	sshll.u32 s28, $0x1;
	[dreg:$0x2] =	wrdreg s3  }
0xa9: {  	[dreg:$0x3] =	wrdreg s5  }
0xaa: {  	[dreg:$0x4] =	wrdreg $0xC0  }
0xab: {  	_ =	task [dreg:s7], $0x5FFFF  }
0xac: {  	[dreg:$0x1] =	wrdreg $0xFFFFFFFF  }
0xad: {  	[dreg:$0x0] =	wrdreg $0x60  }
0xae: {  	[dreg:$0x2] =	wrdreg s24  }
0xaf: {  	[dreg:$0x3] =	wrdreg s2  }
0xb0: {  	[dreg:$0x4] =	wrdreg $0x9  }
0xb1: {  	_ =	task.clear_ibuf [dreg:s7], $0x5FFFF;
	_ =	strace $0x90000046  }
0xb2: {  	s29 =	simm.s32 $0x9;
	_ =	strace $0x80000048  }
0xb3: {  	_ =	swait.ge [sflag:s29], $0x1  }
0xb4: {  	[sflag:s29] =	ssyncadd.s32 $0xFFFFFFFF  }
0xb5: {  	_ =	strace $0x90000048  }
0xb6: {  	_ =	sfence  }
0xb7: {  	s30 =	sld [smem:$0x0];
	_ =	sdelay $0x2  }
0xb8: {  	s31 =	sshll.u32 s1, $0xD;
	s1 =	sshrl.u32 s1, $0x2  }
0xb9: {  	s3 =	sand.u32 $0x4000, s31;
	s1 =	sadd.s32 s1, s30  }
0xba: {  	s0 =	sor.u32 s3, s0;
	s1 =	sshll.u32 s1, $0x11  }
0xbb: {  	s0 =	sor.u32 s1, s0  }
0xbc: {  	s0 =	sadd.s32 $0x8F2B, s0  }
0xbd: {  	[sflag:s0] =	ssyncadd.remote.s32 $0x1  }
0xbe: {  	_ =	sfence.sel $0xFFFF  }
0xbf: {  	[dreg:$0x0] =	wrdreg $0xFFFFFFFF;
	(pc) =	sbr.abs _section_cstart, $3  }
0xc0: {  	[dreg:$0x1] =	wrdreg $0xFFFFFFFF  }
0xc1: {  	_ =	task.clear_ibuf [dreg:s7], $0x2FFFF;
	_ =	strace $0x9FFFFFFF  }
0xc2: {  	(tm) =	ssettm $0x7FFFFFFF  }
0xc3: {  	_ =	shalt  }
tec
execute0_lowered:
.L_overlay_start_1:
0x0: {  	(tag) =	ssettag $0x1  }
0x1: {  	s5 =	rddreg [dreg:$0x0]  }
0x2: {  	s1 =	rddreg [dreg:$0x1]  }
0x3: {  	s0 =	rddreg [dreg:$0x2];
	s2 =	simm.s32 $0x0  }
0x4: {  	s3 =	srdreg.scid;
	s10 =	simm.s32 $0x380;
	s11 =	simm.s32 $0x100  }
0x5: {  	s12 =	simm.s32 $0x180;
	s13 =	simm.s32 $0x200;
	s14 =	simm.s32 $0x280  }
0x6: {  	s15 =	simm.s32 $0x300;
	s16 =	simm.s32 $0x1;
	s17 =	simm.s32 $0x0  }
0x7: {  	[smem:$0x7FF] =	sst s2;
	s6 =	sand.u32 $0x1, s3;
	s3 =	stileid.u32  }
0x8: {  	s4 =	sadd.s32 $0x17C00, s5;
	s5 =	sadd.s32 $0x15BC00, s5;
	s7 =	ssub.s32 $0x2, s6  }
0x9: {  	_ =	strace $0x80000047;
	s9 =	sshll.u32 s3, $0x1;
	s8 =	sshrl.u32 s7, $0x1  }
0xa: {  	s6 =	sor.u32 s6, s9;
	s9 =	simm.s32 $0x80;
	s7 =	ssub.s32 s7, s8  }
0xb: {  	v0 =	vimm.f32 $0.0e+00;
	s6 =	smul.u32 $0x15, s6;
	s8 =	simm.s32 $0x2;
	s7 =	smax.u32 s7, $0x1  }
.LBB2_1:
0xc: {  	s18 =	simm.s32 $0x0  }
.LBB2_2:
0xd: {  	s19 =	sadd.s32 s6, s18  }
0xe: {  	s20 =	simm.s32 $0x30;
	p0 =	sgt.u32 s19, $0x14F  }
0xf: {  	s20 =	simm.s32 @!p0 $0x0  }
0x10: {  	s20 =	sadd.s32 s19, s20  }
0x11: {  	s20 =	smul.u32 $0x70, s20;
	_ =	sdelay $0x1  }
0x12: {  	s21 =	simm.s32 $0x0;
	s20 =	sadd.s32 s1, s20  }
0x13: {  	[tilespmem:s21], [sflag:$0x2] =	stream.linear.gather [hbm4b:s20+s21], $0x380, $0x38;
	[tilespmem:$0x1380] =	vst v63  }
0x14: {  	_ =	swait.ge [sflag:s8], $0x380  }
0x15: {  	[sflag:s8] =	ssyncset.done $0x0  }
0x16: {  	s20 =	simm.s32 $0x80;
	s21 =	simm.s32 $0x0;
	[sflag:s8] =	ssyncadd.s32 $0xFFFFFC80  }
.LBB2_3:
0x17: {  	p0 =	sne.s32 s20, $0x3F80;
	[tilespmem:s21+$0x380] =	vst v0;
	s22 =	smov.u32 s20;
	s20 =	sadd.s32 $0x80, s20  }
.Ltmp0:
0x18: {  	[tilespmem:s21+$0x390] =	vst v0;
	(pc) =	sbr.rel @p0 .LBB2_3-.Ltmp0, $2  }
0x19: {  	_ =	sdelay $0x2  }
0x1a: {  	s21 =	sshra.s32 s22, $0x2  }
0x1b: {  	[tilespmem:s21+$0x380] =	vst v0  }
0x1c: {  	[tilespmem:s21+$0x390] =	vst v0  }
0x1d: {  	[tilespmem:s10], [sflag:$0x1] =	stream.indirect.gather.add.f32 [hbm:s4], $0x20, s2, s9, $0xb8;
	[tilespmem:$0x1380] =	vst v63  }
0x1e: {  	_ = 	snop  }
0x1f: {  	[tilespmem:s10], [sflag:$0x1] =	stream.indirect.gather.add.f32 [hbm:s4], $0x20, s9, s9, $0xb8;
	[tilespmem:$0x1380] =	vst v63  }
0x20: {  	_ = 	snop  }
0x21: {  	[tilespmem:s10], [sflag:$0x1] =	stream.indirect.gather.add.f32 [hbm:s4], $0x20, s11, s9, $0xb8;
	[tilespmem:$0x1380] =	vst v63  }
0x22: {  	_ = 	snop  }
0x23: {  	[tilespmem:s10], [sflag:$0x1] =	stream.indirect.gather.add.f32 [hbm:s4], $0x20, s12, s9, $0xb8;
	[tilespmem:$0x1380] =	vst v63  }
0x24: {  	_ = 	snop  }
0x25: {  	[tilespmem:s10], [sflag:$0x1] =	stream.indirect.gather.add.f32 [hbm:s4], $0x20, s13, s9, $0xb8;
	[tilespmem:$0x1380] =	vst v63  }
0x26: {  	_ = 	snop  }
0x27: {  	[tilespmem:s10], [sflag:$0x1] =	stream.indirect.gather.add.f32 [hbm:s4], $0x20, s14, s9, $0xb8;
	[tilespmem:$0x1380] =	vst v63  }
0x28: {  	_ = 	snop  }
0x29: {  	[tilespmem:s10], [sflag:$0x1] =	stream.indirect.gather.add.f32 [hbm:s4], $0x20, s15, s9, $0xb8;
	[tilespmem:$0x1380] =	vst v63  }
0x2a: {  	_ =	swait.ge [sflag:s16], $0x1000  }
0x2b: {  	[sflag:s16] =	ssyncset.done $0x0  }
0x2c: {  	[sflag:s16] =	ssyncadd.s32 $0xFFFFF000  }
0x2d: {  	_ =	swait.ge [sflag:s16], $0x1000  }
0x2e: {  	[sflag:s16] =	ssyncset.done $0x0  }
0x2f: {  	[sflag:s16] =	ssyncadd.s32 $0xFFFFF000  }
0x30: {  	_ =	swait.ge [sflag:s16], $0x1000  }
0x31: {  	[sflag:s16] =	ssyncset.done $0x0  }
0x32: {  	[sflag:s16] =	ssyncadd.s32 $0xFFFFF000  }
0x33: {  	_ =	swait.ge [sflag:s16], $0x1000  }
0x34: {  	[sflag:s16] =	ssyncset.done $0x0  }
0x35: {  	[sflag:s16] =	ssyncadd.s32 $0xFFFFF000  }
0x36: {  	_ =	swait.ge [sflag:s16], $0x1000  }
0x37: {  	[sflag:s16] =	ssyncset.done $0x0  }
0x38: {  	[sflag:s16] =	ssyncadd.s32 $0xFFFFF000  }
0x39: {  	_ =	swait.ge [sflag:s16], $0x1000  }
0x3a: {  	[sflag:s16] =	ssyncset.done $0x0  }
0x3b: {  	[sflag:s16] =	ssyncadd.s32 $0xFFFFF000  }
0x3c: {  	s18 =	sadd.s32 $0x1, s18;
	_ =	swait.ge [sflag:s16], $0x1000  }
0x3d: {  	s19 =	sshll.u32 s19, $0x9;
	p0 =	sne.s32 s18, $0x15;
	[sflag:s16] =	ssyncset.done $0x0  }
.Ltmp1:
0x3e: {  	s19 =	sadd.s32 s5, s19;
	[sflag:s16] =	ssyncadd.s32 $0xFFFFF000;
	(pc) =	sbr.rel @p0 .LBB2_2-.Ltmp1, $4  }
0x3f: {  	[hbm4b:s19+s2] =	stream.linear.scatter [tilespmem:s10], [sflag:$0x2], $0x1000, $0x38;
	[tilespmem:$0x1380] =	vst v63  }
0x40: {  	_ =	swait.ge [sflag:s8], $0x1000  }
0x41: {  	[sflag:s8] =	ssyncset.done $0x0  }
0x42: {  	[sflag:s8] =	ssyncadd.s32 $0xFFFFF000  }
0x43: {  	s17 =	sadd.s32 $0x1, s17  }
0x44: {  	p0 =	sne.s32 s17, s7  }
.Ltmp2:
0x45: {  	_ = 	snop;
	(pc) =	sbr.rel @p0 .LBB2_1-.Ltmp2, $1  }
0x46: {  	_ =	sdelay $0x3  }
0x47: {  	_ =	sfence.sel $0x180000  }
0x48: {  	[bflag:$0x0] =	sbarrier.arrive $0xFFFF  }
0x49: {  	p0 =	sne.s32 s3, $0x0;
	_ =	strace $0x90000047  }
0x4a: {  	s0 =	sadd.s32 @!p0 $0x100000, s0;
	[bflag:$0x2] =	sbarrier.arrive $0xFFFF  }
0x4b: {  	[sflag:s0] =	ssyncadd.tile.s32 @!p0 $0x1;
	_ =	shalt  }
.Lfunc_end2:
_tile_overlayer_lowered:
.L_overlay_start_2:
0x4c: {  	(tag) =	ssettag $0x2  }
0x4d: {  	s0 =	rddreg [dreg:$0x0];
	s2 =	stileid.u32  }
0x4e: {  	s1 =	rddreg [dreg:$0x1];
	p0 =	sne.s32 s2, $0x0  }
0x4f: {  	s3 =	rddreg [dreg:$0x2];
	[bflag:$0x3] =	sbarrier.arrive $0xFFFF;
	s2 =	simm.s32 @!p0 $0x1C02  }
0x50: {  	[timem:s3], [sflag:s2] =	dma.local @!p0 [hbm:s0], s1  }
0x51: {  	s0 =	simm.s32 @!p0 $0x2  }
0x52: {  	_ =	swait.ge @!p0 [sflag:s0], s1  }
0x53: {  	s1 =	ssub.s32 @!p0 $0x0, s1;
	[sflag:s0] =	ssyncset.done @!p0 $0x0  }
0x54: {  	[sflag:s0] =	ssyncadd.s32 @!p0 s1  }
0x55: {  	[bflag:$0x3] =	sbarrier.arrive $0xFFFF  }
0x56: {  	_ =	shalt  }

// kernel: kernel.15.cloned.1.call-start
scs
__scs_entry_jumppad:
0x0: {  	(pc) =	sbr.rel $0x88, $3  }
0x1: {  	(tag) =	ssettag $0x0;
	lr =	simm.s32 $0x1  }
0x2: {  	[smem:$0x3F98] =	sst lr;
	_ =	strace $0xD0000000  }
0x3: {  	_ = 	snop  }
0x4: {  	_ = 	snop  }
0x5: {  	_ = 	snop  }
0x6: {  	_ = 	snop  }
0x7: {  	_ = 	snop  }
__scs_overlays_trampoline_lowered:
0x8: {  	[smem:$0x3FA7] =	sst s0  }
0x9: {  	[smem:$0x3FA8] =	sst s1  }
0xa: {  	[smem:$0x3FA9] =	sst s2  }
0xb: {  	[smem:$0x3FAA] =	sst s3  }
0xc: {  	[smem:$0x3FAB] =	sst s4  }
0xd: {  	[smem:$0x3FAC] =	sst s5  }
0xe: {  	[smem:$0x3FAD] =	sst s6  }
0xf: {  	[smem:$0x3FAE] =	sst s7  }
0x10: {  	[smem:$0x3FAF] =	sst s8  }
0x11: {  	[smem:$0x3FB0] =	sst s9;
	s0 =	simm.s32 @!p0 $0x0  }
0x12: {  	s1 =	sld [smem:$0x3F96];
	s0 =	simm.s32 @p0 $0x1  }
0x13: {  	[smem:$0x3FB1] =	sst s0;
	s0 =	simm.s32 @!p1 $0x0  }
0x14: {  	s2 =	sld [smem:$0x3F95];
	s0 =	simm.s32 @p1 $0x1  }
0x15: {  	[smem:$0x3FB2] =	sst s0;
	s0 =	simm.s32 @!p2 $0x0  }
0x16: {  	s3 =	sld [smem:$0x3FDB];
	s0 =	simm.s32 @p2 $0x1  }
0x17: {  	s4 =	simm.s32 $0x1BF5;
	[smem:$0x3FB4] =	sst s0  }
0x18: {  	s0 =	sld [smem:$0x3F97];
	_ =	swait.ge [sflag:s4], $0x0  }
0x19: {  	s7 =	sld [smem:$0x3F98]  }
0x1a: {  	s8 =	sadd.s32 $0xFFFFE003, lr  }
0x1b: {  	s9 =	sadd.s32 $0xFFFFFEF7, lr;
	s5 =	simm.s32 $0xFFFFFFFF;
	p2 =	slt.u32 s8, $0xFFFFF086  }
0x1c: {  	p1 =	slt.u32 s9, $0xF7A;
	s5 =	simm.s32 @!p2 $0x0  }
0x1d: {  	s5 =	simm.s32 @p1 $0x1;
	p0 =	seq.s32 s7, s2  }
0x1e: {  	s7 =	smul.u32 @!p0 $0xF7A, s2;
	p2 =	seq.s32 @!p0 s5, $0x0  }
0x1f: {  	s9 =	smul.u32 $0xF7A, s1;
	s8 =	simm.s32 @!p0 $0x1BF5;
	p2 =	por !p2, p0  }
0x20: {  	[sflag:s8] =	ssyncset.s32 @!p0 $0xFFFFF086;
	s6 =	sadd.s32 @!p0 s3, s7;
	s7 =	simm.s32 @!p0 $0x108  }
0x21: {  	s3 =	sadd.s32 s3, s9;
	s6 =	sadd.s32 @!p0 $0x88, s6;
	s7 =	simm.s32 @p2 $0x1082  }
0x22: {  	[simem:s7], [sflag:s8] =	dma.local @!p0 [hbm:s6], $0xF7A  }
0x23: {  	s9 =	sor.u32 $0xD0000000, s2;
	s6 =	simm.s32 $0x108;
	_ =	swait.ge @!p0 [sflag:s8], $0x0  }
0x24: {  	s3 =	sadd.s32 $0x88, s3;
	s6 =	simm.s32 @!p1 $0x1082;
	[sflag:s4] =	ssyncset.s32 $0xFFFFF086  }
0x25: {  	[simem:s6], [sflag:s4] =	dma.local [hbm:s3], $0xF7A  }
0x26: {  	[smem:$0x3F98] =	sst s1;
	(tag) =	ssettag s2;
	_ =	strace s9  }
0x27: {  	s1 =	sld [smem:$0x3FA8]  }
0x28: {  	s2 =	sld [smem:$0x3FA9]  }
0x29: {  	s4 =	sld [smem:$0x3FAB]  }
0x2a: {  	p0 =	seq.s32 s5, $0x0;
	s5 =	sld [smem:$0x3FAC]  }
0x2b: {  	s6 =	sld [smem:$0x3FAD]  }
0x2c: {  	s7 =	sld [smem:$0x3FAE]  }
0x2d: {  	s3 =	simm.s32 $0x108;
	s8 =	sld [smem:$0x3FAF]  }
0x2e: {  	s3 =	simm.s32 @!p0 $0x1082;
	s9 =	sld [smem:$0x3FB0]  }
0x2f: {  	lr =	sadd.s32 s0, s3;
	s0 =	sld [smem:$0x3FA7]  }
0x30: {  	s3 =	sld [smem:$0x3FAA]  }
0x31: {  	[smem:$0x3FB3] =	sst s10  }
0x32: {  	s10 =	sld [smem:$0x3FB1];
	_ =	sdelay $0x3  }
0x33: {  	p0 =	seq.s32 s10, $0x1;
	s10 =	sld [smem:$0x3FB3];
	_ =	sdelay $0x3  }
0x34: {  	[smem:$0x3FB3] =	sst s10  }
0x35: {  	s10 =	sld [smem:$0x3FB2];
	_ =	sdelay $0x3  }
0x36: {  	p1 =	seq.s32 s10, $0x1;
	s10 =	sld [smem:$0x3FB3];
	_ =	sdelay $0x3  }
0x37: {  	[smem:$0x3FB3] =	sst s10  }
0x38: {  	s10 =	sld [smem:$0x3FB4]  }
0x39: {  	_ = 	snop;
	(pc) =	sbr.ind lr, $3  }
0x3a: {  	_ = 	snop  }
0x3b: {  	_ = 	snop  }
0x3c: {  	p2 =	seq.s32 s10, $0x1;
	s10 =	sld [smem:$0x3FB3]  }
0x3d: {  	_ =	shalt  }
0x3e: {  	_ =	shalt  }
0x3f: {  	_ =	shalt  }
0x40: {  	_ =	shalt  }
0x41: {  	_ =	shalt  }
0x42: {  	_ =	shalt  }
0x43: {  	_ =	shalt  }
0x44: {  	_ =	shalt  }
0x45: {  	_ =	shalt  }
0x46: {  	_ =	shalt  }
0x47: {  	_ =	shalt  }
0x48: {  	_ =	shalt  }
0x49: {  	_ =	shalt  }
0x4a: {  	_ =	shalt  }
0x4b: {  	_ =	shalt  }
0x4c: {  	_ =	shalt  }
0x4d: {  	_ =	shalt  }
0x4e: {  	_ =	shalt  }
0x4f: {  	_ =	shalt  }
0x50: {  	_ =	shalt  }
0x51: {  	_ =	shalt  }
0x52: {  	_ =	shalt  }
0x53: {  	_ =	shalt  }
0x54: {  	_ =	shalt  }
0x55: {  	_ =	shalt  }
0x56: {  	_ =	shalt  }
0x57: {  	_ =	shalt  }
0x58: {  	_ =	shalt  }
0x59: {  	_ =	shalt  }
0x5a: {  	_ =	shalt  }
0x5b: {  	_ =	shalt  }
0x5c: {  	_ =	shalt  }
0x5d: {  	_ =	shalt  }
0x5e: {  	_ =	shalt  }
0x5f: {  	_ =	shalt  }
0x60: {  	_ =	shalt  }
0x61: {  	_ =	shalt  }
0x62: {  	_ =	shalt  }
0x63: {  	_ =	shalt  }
0x64: {  	_ =	shalt  }
0x65: {  	_ =	shalt  }
0x66: {  	_ =	shalt  }
0x67: {  	_ =	shalt  }
0x68: {  	_ =	shalt  }
0x69: {  	_ =	shalt  }
0x6a: {  	_ =	shalt  }
0x6b: {  	_ =	shalt  }
0x6c: {  	_ =	shalt  }
0x6d: {  	_ =	shalt  }
0x6e: {  	_ =	shalt  }
0x6f: {  	_ =	shalt  }
0x70: {  	_ =	shalt  }
0x71: {  	_ =	shalt  }
0x72: {  	_ =	shalt  }
0x73: {  	_ =	shalt  }
0x74: {  	_ =	shalt  }
0x75: {  	_ =	shalt  }
0x76: {  	_ =	shalt  }
0x77: {  	_ =	shalt  }
0x78: {  	_ =	shalt  }
0x79: {  	_ =	shalt  }
0x7a: {  	_ =	shalt  }
0x7b: {  	_ =	shalt  }
0x7c: {  	_ =	shalt  }
0x7d: {  	_ =	shalt  }
0x7e: {  	_ =	shalt  }
0x7f: {  	_ =	shalt  }
0x80: {  	_ =	shalt  }
0x81: {  	_ =	shalt  }
0x82: {  	_ =	shalt  }
0x83: {  	_ =	shalt  }
0x84: {  	_ =	shalt  }
0x85: {  	_ =	shalt  }
0x86: {  	_ =	shalt  }
0x87: {  	_ =	shalt  }
.Lfunc_end0:
.L_simem_size_0:
called_computation.1_lowered:
.L_overlay_start_0:
0x88: {  	s2 =	sld [smem:$0x3FD9]  }
0x89: {  	s3 =	sld [smem:$0x3FFE];
	_ =	sdelay $0x1  }
0x8a: {  	s1 =	srdreg.scid  }
0x8b: {  	s0 =	sand.u32 $0x1, s1  }
0x8c: {  	s16 =	sshll.u32 s0, $0xA;
	s2 =	sadd.s32 s3, s2  }
0x8d: {  	s2 =	sadd.s32 s2, s16  }
0x8e: {  	[smem:$0x3FBF] =	sst s2  }
0x8f: {  	_ = 	snop  }
0x90: {  	(tm) =	ssettm $0x1  }
0x91: {  	s17 =	sld [smem:$0x3FFB];
	_ =	sdelay $0x3  }
0x92: {  	_ =	strace s17  }
0x93: {  	s2 =	sld [smem:$0x3FFC];
	_ =	sdelay $0x3  }
0x94: {  	_ =	strace s2  }
0x95: {  	s2 =	sld [smem:$0x3FFD];
	_ =	sdelay $0x3  }
0x96: {  	_ =	strace s2  }
0x97: {  	_ =	strace $0x8FFFFFFF  }
0x98: {  	s18 =	sld [smem:$0x3FDB];
	_ =	sdelay $0x1  }
0x99: {  	s19 =	simm.s32 $_scs_section_size  }
0x9a: {  	s4 =	simm.s32 $_size__tile_overlayer_lowered;
	s5 =	simm.s32 $_tile_overlayer_lowered  }
0x9b: {  	s22 =	simm.s32 $0x1BFF;
	s21 =	sshll.u32 s5, $0x1;
	s2 =	sadd.s32 s19, s18  }
0x9c: {  	s6 =	simm.s32 $0x0;
	s20 =	sshll.u32 s4, $0x1;
	s4 =	sadd.s32 s21, s2  }
0x9d: {  	[timem:s6], [sflag:s22] =	dma.local [hbm:s4], s20  }
0x9e: {  	_ =	swait.ge [sflag:s22], s20  }
0x9f: {  	s3 =	ssub.s32 $0x0, s20;
	[sflag:s22] =	ssyncset.done $0x0  }
0xa0: {  	[sflag:s22] =	ssyncadd.s32 s3;
	_ =	sdelay $0x1  }
0xa1: {  	s23 =	simm.s32 $0x1B8B  }
0xa2: {  	_ =	swait.ge [sflag:s23], $0x1  }
0xa3: {  	[sflag:s23] =	ssyncset.done $0x0  }
0xa4: {  	s25 =	simm.s32 $0x1B8E;
	s24 =	sld [smem:$0x3FFE];
	[sflag:s23] =	ssyncadd.s32 $0xFFFFFFFF  }
0xa5: {  	s26 =	simm.s32 $execute0_lowered;
	[smem:$0x3FD2] =	sst s25  }
0xa6: {  	s4 =	sshll.u32 s26, $0x1;
	_ =	strace $0x80000049;
	[dreg:$0x1] =	wrdreg $0xFFFFFFFF  }
0xa7: {  	s28 =	simm.s32 $_size_execute0_lowered;
	s2 =	sadd.s32 s2, s4;
	[dreg:$0x0] =	wrdreg $0x0  }
0xa8: {  	s4 =	sshll.u32 s28, $0x1;
	[dreg:$0x2] =	wrdreg s2  }
0xa9: {  	[dreg:$0x3] =	wrdreg s4  }
0xaa: {  	[dreg:$0x4] =	wrdreg $0xC0  }
0xab: {  	_ =	task [dreg:s6], $0x5FFFF  }
0xac: {  	[dreg:$0x1] =	wrdreg $0xFFFFFFFF  }
0xad: {  	[dreg:$0x0] =	wrdreg $0x60  }
0xae: {  	[dreg:$0x2] =	wrdreg s24  }
0xaf: {  	[dreg:$0x3] =	wrdreg $0x9  }
0xb0: {  	_ =	task.clear_ibuf [dreg:s6], $0x4FFFF;
	_ =	strace $0x90000049  }
0xb1: {  	s29 =	simm.s32 $0x9;
	_ =	strace $0x8000004B  }
0xb2: {  	_ =	swait.ge [sflag:s29], $0x1  }
0xb3: {  	[sflag:s29] =	ssyncadd.s32 $0xFFFFFFFF  }
0xb4: {  	_ =	strace $0x9000004B  }
0xb5: {  	_ =	sfence  }
0xb6: {  	s30 =	sld [smem:$0x0];
	_ =	sdelay $0x2  }
0xb7: {  	s31 =	sshll.u32 s1, $0xD;
	s1 =	sshrl.u32 s1, $0x2  }
0xb8: {  	s3 =	sand.u32 $0x4000, s31;
	s1 =	sadd.s32 s1, s30  }
0xb9: {  	s0 =	sor.u32 s3, s0;
	s1 =	sshll.u32 s1, $0x11  }
0xba: {  	s0 =	sor.u32 s1, s0  }
0xbb: {  	s0 =	sadd.s32 $0x8F2B, s0  }
0xbc: {  	[sflag:s0] =	ssyncadd.remote.s32 $0x1  }
0xbd: {  	_ =	sfence.sel $0xFFFF  }
0xbe: {  	[dreg:$0x0] =	wrdreg $0xFFFFFFFF;
	(pc) =	sbr.abs _section_cstart, $3  }
0xbf: {  	[dreg:$0x1] =	wrdreg $0xFFFFFFFF  }
0xc0: {  	_ =	task.clear_ibuf [dreg:s6], $0x2FFFF;
	_ =	strace $0x9FFFFFFF  }
0xc1: {  	(tm) =	ssettm $0x7FFFFFFF  }
tec
execute0_lowered:
.L_overlay_start_1:
0x0: {  	(tag) =	ssettag $0x1  }
0x1: {  	s5 =	rddreg [dreg:$0x0]  }
0x2: {  	s0 =	rddreg [dreg:$0x1];
	s1 =	simm.s32 $0x0;
	s2 =	srdreg.scid  }
0x3: {  	s10 =	simm.s32 $0x380;
	s11 =	simm.s32 $0x100;
	s12 =	simm.s32 $0x180  }
0x4: {  	s13 =	simm.s32 $0x200;
	s14 =	simm.s32 $0x280;
	s15 =	simm.s32 $0x300  }
0x5: {  	s16 =	simm.s32 $0x1;
	s17 =	simm.s32 $0x0;
	[smem:$0x7FF] =	sst s1  }
0x6: {  	s6 =	sand.u32 $0x1, s2;
	s3 =	sadd.s32 $0x17C00, s5;
	s2 =	stileid.u32  }
0x7: {  	s4 =	sadd.s32 $0x2C00, s5;
	s5 =	sadd.s32 $0x263C00, s5;
	s7 =	ssub.s32 $0x2, s6  }
0x8: {  	_ =	strace $0x8000004A;
	s9 =	sshll.u32 s2, $0x1;
	s8 =	sshrl.u32 s7, $0x1  }
0x9: {  	s6 =	sor.u32 s6, s9;
	s9 =	simm.s32 $0x80;
	s7 =	ssub.s32 s7, s8  }
0xa: {  	v0 =	vimm.f32 $0.0e+00;
	s6 =	smul.u32 $0x15, s6;
	s8 =	simm.s32 $0x2;
	s7 =	smax.u32 s7, $0x1  }
.LBB2_1:
0xb: {  	s18 =	simm.s32 $0x0  }
.LBB2_2:
0xc: {  	s19 =	sadd.s32 s6, s18  }
0xd: {  	s20 =	simm.s32 $0x30;
	p0 =	sgt.u32 s19, $0x14F  }
0xe: {  	s20 =	simm.s32 @!p0 $0x0  }
0xf: {  	s20 =	sadd.s32 s19, s20  }
0x10: {  	s20 =	smul.u32 $0x70, s20;
	_ =	sdelay $0x1  }
0x11: {  	s21 =	simm.s32 $0x0;
	s20 =	sadd.s32 s4, s20  }
0x12: {  	[tilespmem:s21], [sflag:$0x2] =	stream.linear.gather [hbm4b:s20+s21], $0x380, $0x38;
	[tilespmem:$0x1380] =	vst v63  }
0x13: {  	_ =	swait.ge [sflag:s8], $0x380  }
0x14: {  	[sflag:s8] =	ssyncset.done $0x0  }
0x15: {  	s20 =	simm.s32 $0x80;
	s21 =	simm.s32 $0x0;
	[sflag:s8] =	ssyncadd.s32 $0xFFFFFC80  }
.LBB2_3:
0x16: {  	p0 =	sne.s32 s20, $0x3F80;
	[tilespmem:s21+$0x380] =	vst v0;
	s22 =	smov.u32 s20;
	s20 =	sadd.s32 $0x80, s20  }
.Ltmp0:
0x17: {  	[tilespmem:s21+$0x390] =	vst v0;
	(pc) =	sbr.rel @p0 .LBB2_3-.Ltmp0, $2  }
0x18: {  	_ =	sdelay $0x2  }
0x19: {  	s21 =	sshra.s32 s22, $0x2  }
0x1a: {  	[tilespmem:s21+$0x380] =	vst v0  }
0x1b: {  	[tilespmem:s21+$0x390] =	vst v0  }
0x1c: {  	[tilespmem:s10], [sflag:$0x1] =	stream.indirect.gather.add.f32 [hbm:s3], $0x20, s1, s9, $0xb8;
	[tilespmem:$0x1380] =	vst v63  }
0x1d: {  	_ = 	snop  }
0x1e: {  	[tilespmem:s10], [sflag:$0x1] =	stream.indirect.gather.add.f32 [hbm:s3], $0x20, s9, s9, $0xb8;
	[tilespmem:$0x1380] =	vst v63  }
0x1f: {  	_ = 	snop  }
0x20: {  	[tilespmem:s10], [sflag:$0x1] =	stream.indirect.gather.add.f32 [hbm:s3], $0x20, s11, s9, $0xb8;
	[tilespmem:$0x1380] =	vst v63  }
0x21: {  	_ = 	snop  }
0x22: {  	[tilespmem:s10], [sflag:$0x1] =	stream.indirect.gather.add.f32 [hbm:s3], $0x20, s12, s9, $0xb8;
	[tilespmem:$0x1380] =	vst v63  }
0x23: {  	_ = 	snop  }
0x24: {  	[tilespmem:s10], [sflag:$0x1] =	stream.indirect.gather.add.f32 [hbm:s3], $0x20, s13, s9, $0xb8;
	[tilespmem:$0x1380] =	vst v63  }
0x25: {  	_ = 	snop  }
0x26: {  	[tilespmem:s10], [sflag:$0x1] =	stream.indirect.gather.add.f32 [hbm:s3], $0x20, s14, s9, $0xb8;
	[tilespmem:$0x1380] =	vst v63  }
0x27: {  	_ = 	snop  }
0x28: {  	[tilespmem:s10], [sflag:$0x1] =	stream.indirect.gather.add.f32 [hbm:s3], $0x20, s15, s9, $0xb8;
	[tilespmem:$0x1380] =	vst v63  }
0x29: {  	_ =	swait.ge [sflag:s16], $0x1000  }
0x2a: {  	[sflag:s16] =	ssyncset.done $0x0  }
0x2b: {  	[sflag:s16] =	ssyncadd.s32 $0xFFFFF000  }
0x2c: {  	_ =	swait.ge [sflag:s16], $0x1000  }
0x2d: {  	[sflag:s16] =	ssyncset.done $0x0  }
0x2e: {  	[sflag:s16] =	ssyncadd.s32 $0xFFFFF000  }
0x2f: {  	_ =	swait.ge [sflag:s16], $0x1000  }
0x30: {  	[sflag:s16] =	ssyncset.done $0x0  }
0x31: {  	[sflag:s16] =	ssyncadd.s32 $0xFFFFF000  }
0x32: {  	_ =	swait.ge [sflag:s16], $0x1000  }
0x33: {  	[sflag:s16] =	ssyncset.done $0x0  }
0x34: {  	[sflag:s16] =	ssyncadd.s32 $0xFFFFF000  }
0x35: {  	_ =	swait.ge [sflag:s16], $0x1000  }
0x36: {  	[sflag:s16] =	ssyncset.done $0x0  }
0x37: {  	[sflag:s16] =	ssyncadd.s32 $0xFFFFF000  }
0x38: {  	_ =	swait.ge [sflag:s16], $0x1000  }
0x39: {  	[sflag:s16] =	ssyncset.done $0x0  }
0x3a: {  	[sflag:s16] =	ssyncadd.s32 $0xFFFFF000  }
0x3b: {  	s18 =	sadd.s32 $0x1, s18;
	_ =	swait.ge [sflag:s16], $0x1000  }
0x3c: {  	s19 =	sshll.u32 s19, $0x9;
	p0 =	sne.s32 s18, $0x15;
	[sflag:s16] =	ssyncset.done $0x0  }
.Ltmp1:
0x3d: {  	s19 =	sadd.s32 s5, s19;
	[sflag:s16] =	ssyncadd.s32 $0xFFFFF000;
	(pc) =	sbr.rel @p0 .LBB2_2-.Ltmp1, $4  }
0x3e: {  	[hbm4b:s19+s1] =	stream.linear.scatter [tilespmem:s10], [sflag:$0x2], $0x1000, $0x38;
	[tilespmem:$0x1380] =	vst v63  }
0x3f: {  	_ =	swait.ge [sflag:s8], $0x1000  }
0x40: {  	[sflag:s8] =	ssyncset.done $0x0  }
0x41: {  	[sflag:s8] =	ssyncadd.s32 $0xFFFFF000  }
0x42: {  	s17 =	sadd.s32 $0x1, s17  }
0x43: {  	p0 =	sne.s32 s17, s7  }
.Ltmp2:
0x44: {  	_ = 	snop;
	(pc) =	sbr.rel @p0 .LBB2_1-.Ltmp2, $1  }
0x45: {  	_ =	sdelay $0x3  }
0x46: {  	_ =	sfence.sel $0x180000  }
0x47: {  	[bflag:$0x0] =	sbarrier.arrive $0xFFFF  }
0x48: {  	p0 =	sne.s32 s2, $0x0;
	_ =	strace $0x9000004A  }
0x49: {  	s0 =	sadd.s32 @!p0 $0x100000, s0;
	[bflag:$0x2] =	sbarrier.arrive $0xFFFF  }
0x4a: {  	[sflag:s0] =	ssyncadd.tile.s32 @!p0 $0x1;
	_ =	shalt  }
.Lfunc_end2:
_tile_overlayer_lowered:
.L_overlay_start_2:
0x4b: {  	(tag) =	ssettag $0x2  }
0x4c: {  	s0 =	rddreg [dreg:$0x0];
	s2 =	stileid.u32  }
0x4d: {  	s1 =	rddreg [dreg:$0x1];
	p0 =	sne.s32 s2, $0x0  }
0x4e: {  	s3 =	rddreg [dreg:$0x2];
	[bflag:$0x3] =	sbarrier.arrive $0xFFFF;
	s2 =	simm.s32 @!p0 $0x1C02  }
0x4f: {  	[timem:s3], [sflag:s2] =	dma.local @!p0 [hbm:s0], s1  }
0x50: {  	s0 =	simm.s32 @!p0 $0x2  }
0x51: {  	_ =	swait.ge @!p0 [sflag:s0], s1  }
0x52: {  	s1 =	ssub.s32 @!p0 $0x0, s1;
	[sflag:s0] =	ssyncset.done @!p0 $0x0  }
0x53: {  	[sflag:s0] =	ssyncadd.s32 @!p0 s1  }
0x54: {  	[bflag:$0x3] =	sbarrier.arrive $0xFFFF  }
0x55: {  	_ =	shalt  }

// kernel: kernel.18.cloned.1.call-start
scs
__scs_entry_jumppad:
0x0: {  	(pc) =	sbr.rel $0x88, $3  }
0x1: {  	(tag) =	ssettag $0x0;
	lr =	simm.s32 $0x1  }
0x2: {  	[smem:$0x3F98] =	sst lr;
	_ =	strace $0xD0000000  }
0x3: {  	_ = 	snop  }
0x4: {  	_ = 	snop  }
0x5: {  	_ = 	snop  }
0x6: {  	_ = 	snop  }
0x7: {  	_ = 	snop  }
__scs_overlays_trampoline_lowered:
0x8: {  	[smem:$0x3FA7] =	sst s0  }
0x9: {  	[smem:$0x3FA8] =	sst s1  }
0xa: {  	[smem:$0x3FA9] =	sst s2  }
0xb: {  	[smem:$0x3FAA] =	sst s3  }
0xc: {  	[smem:$0x3FAB] =	sst s4  }
0xd: {  	[smem:$0x3FAC] =	sst s5  }
0xe: {  	[smem:$0x3FAD] =	sst s6  }
0xf: {  	[smem:$0x3FAE] =	sst s7  }
0x10: {  	[smem:$0x3FAF] =	sst s8  }
0x11: {  	[smem:$0x3FB0] =	sst s9;
	s0 =	simm.s32 @!p0 $0x0  }
0x12: {  	s1 =	sld [smem:$0x3F96];
	s0 =	simm.s32 @p0 $0x1  }
0x13: {  	[smem:$0x3FB1] =	sst s0;
	s0 =	simm.s32 @!p1 $0x0  }
0x14: {  	s2 =	sld [smem:$0x3F95];
	s0 =	simm.s32 @p1 $0x1  }
0x15: {  	[smem:$0x3FB2] =	sst s0;
	s0 =	simm.s32 @!p2 $0x0  }
0x16: {  	s3 =	sld [smem:$0x3FDB];
	s0 =	simm.s32 @p2 $0x1  }
0x17: {  	s4 =	simm.s32 $0x1BF5;
	[smem:$0x3FB4] =	sst s0  }
0x18: {  	s0 =	sld [smem:$0x3F97];
	_ =	swait.ge [sflag:s4], $0x0  }
0x19: {  	s7 =	sld [smem:$0x3F98]  }
0x1a: {  	s8 =	sadd.s32 $0xFFFFE003, lr  }
0x1b: {  	s9 =	sadd.s32 $0xFFFFFEF7, lr;
	s5 =	simm.s32 $0xFFFFFFFF;
	p2 =	slt.u32 s8, $0xFFFFF086  }
0x1c: {  	p1 =	slt.u32 s9, $0xF7A;
	s5 =	simm.s32 @!p2 $0x0  }
0x1d: {  	s5 =	simm.s32 @p1 $0x1;
	p0 =	seq.s32 s7, s2  }
0x1e: {  	s7 =	smul.u32 @!p0 $0xF7A, s2;
	p2 =	seq.s32 @!p0 s5, $0x0  }
0x1f: {  	s9 =	smul.u32 $0xF7A, s1;
	s8 =	simm.s32 @!p0 $0x1BF5;
	p2 =	por !p2, p0  }
0x20: {  	[sflag:s8] =	ssyncset.s32 @!p0 $0xFFFFF086;
	s6 =	sadd.s32 @!p0 s3, s7;
	s7 =	simm.s32 @!p0 $0x108  }
0x21: {  	s3 =	sadd.s32 s3, s9;
	s6 =	sadd.s32 @!p0 $0x88, s6;
	s7 =	simm.s32 @p2 $0x1082  }
0x22: {  	[simem:s7], [sflag:s8] =	dma.local @!p0 [hbm:s6], $0xF7A  }
0x23: {  	s9 =	sor.u32 $0xD0000000, s2;
	s6 =	simm.s32 $0x108;
	_ =	swait.ge @!p0 [sflag:s8], $0x0  }
0x24: {  	s3 =	sadd.s32 $0x88, s3;
	s6 =	simm.s32 @!p1 $0x1082;
	[sflag:s4] =	ssyncset.s32 $0xFFFFF086  }
0x25: {  	[simem:s6], [sflag:s4] =	dma.local [hbm:s3], $0xF7A  }
0x26: {  	[smem:$0x3F98] =	sst s1;
	(tag) =	ssettag s2;
	_ =	strace s9  }
0x27: {  	s1 =	sld [smem:$0x3FA8]  }
0x28: {  	s2 =	sld [smem:$0x3FA9]  }
0x29: {  	s4 =	sld [smem:$0x3FAB]  }
0x2a: {  	p0 =	seq.s32 s5, $0x0;
	s5 =	sld [smem:$0x3FAC]  }
0x2b: {  	s6 =	sld [smem:$0x3FAD]  }
0x2c: {  	s7 =	sld [smem:$0x3FAE]  }
0x2d: {  	s3 =	simm.s32 $0x108;
	s8 =	sld [smem:$0x3FAF]  }
0x2e: {  	s3 =	simm.s32 @!p0 $0x1082;
	s9 =	sld [smem:$0x3FB0]  }
0x2f: {  	lr =	sadd.s32 s0, s3;
	s0 =	sld [smem:$0x3FA7]  }
0x30: {  	s3 =	sld [smem:$0x3FAA]  }
0x31: {  	[smem:$0x3FB3] =	sst s10  }
0x32: {  	s10 =	sld [smem:$0x3FB1];
	_ =	sdelay $0x3  }
0x33: {  	p0 =	seq.s32 s10, $0x1;
	s10 =	sld [smem:$0x3FB3];
	_ =	sdelay $0x3  }
0x34: {  	[smem:$0x3FB3] =	sst s10  }
0x35: {  	s10 =	sld [smem:$0x3FB2];
	_ =	sdelay $0x3  }
0x36: {  	p1 =	seq.s32 s10, $0x1;
	s10 =	sld [smem:$0x3FB3];
	_ =	sdelay $0x3  }
0x37: {  	[smem:$0x3FB3] =	sst s10  }
0x38: {  	s10 =	sld [smem:$0x3FB4]  }
0x39: {  	_ = 	snop;
	(pc) =	sbr.ind lr, $3  }
0x3a: {  	_ = 	snop  }
0x3b: {  	_ = 	snop  }
0x3c: {  	p2 =	seq.s32 s10, $0x1;
	s10 =	sld [smem:$0x3FB3]  }
0x3d: {  	_ =	shalt  }
0x3e: {  	_ =	shalt  }
0x3f: {  	_ =	shalt  }
0x40: {  	_ =	shalt  }
0x41: {  	_ =	shalt  }
0x42: {  	_ =	shalt  }
0x43: {  	_ =	shalt  }
0x44: {  	_ =	shalt  }
0x45: {  	_ =	shalt  }
0x46: {  	_ =	shalt  }
0x47: {  	_ =	shalt  }
0x48: {  	_ =	shalt  }
0x49: {  	_ =	shalt  }
0x4a: {  	_ =	shalt  }
0x4b: {  	_ =	shalt  }
0x4c: {  	_ =	shalt  }
0x4d: {  	_ =	shalt  }
0x4e: {  	_ =	shalt  }
0x4f: {  	_ =	shalt  }
0x50: {  	_ =	shalt  }
0x51: {  	_ =	shalt  }
0x52: {  	_ =	shalt  }
0x53: {  	_ =	shalt  }
0x54: {  	_ =	shalt  }
0x55: {  	_ =	shalt  }
0x56: {  	_ =	shalt  }
0x57: {  	_ =	shalt  }
0x58: {  	_ =	shalt  }
0x59: {  	_ =	shalt  }
0x5a: {  	_ =	shalt  }
0x5b: {  	_ =	shalt  }
0x5c: {  	_ =	shalt  }
0x5d: {  	_ =	shalt  }
0x5e: {  	_ =	shalt  }
0x5f: {  	_ =	shalt  }
0x60: {  	_ =	shalt  }
0x61: {  	_ =	shalt  }
0x62: {  	_ =	shalt  }
0x63: {  	_ =	shalt  }
0x64: {  	_ =	shalt  }
0x65: {  	_ =	shalt  }
0x66: {  	_ =	shalt  }
0x67: {  	_ =	shalt  }
0x68: {  	_ =	shalt  }
0x69: {  	_ =	shalt  }
0x6a: {  	_ =	shalt  }
0x6b: {  	_ =	shalt  }
0x6c: {  	_ =	shalt  }
0x6d: {  	_ =	shalt  }
0x6e: {  	_ =	shalt  }
0x6f: {  	_ =	shalt  }
0x70: {  	_ =	shalt  }
0x71: {  	_ =	shalt  }
0x72: {  	_ =	shalt  }
0x73: {  	_ =	shalt  }
0x74: {  	_ =	shalt  }
0x75: {  	_ =	shalt  }
0x76: {  	_ =	shalt  }
0x77: {  	_ =	shalt  }
0x78: {  	_ =	shalt  }
0x79: {  	_ =	shalt  }
0x7a: {  	_ =	shalt  }
0x7b: {  	_ =	shalt  }
0x7c: {  	_ =	shalt  }
0x7d: {  	_ =	shalt  }
0x7e: {  	_ =	shalt  }
0x7f: {  	_ =	shalt  }
0x80: {  	_ =	shalt  }
0x81: {  	_ =	shalt  }
0x82: {  	_ =	shalt  }
0x83: {  	_ =	shalt  }
0x84: {  	_ =	shalt  }
0x85: {  	_ =	shalt  }
0x86: {  	_ =	shalt  }
0x87: {  	_ =	shalt  }
.Lfunc_end0:
.L_simem_size_0:
called_computation.2_lowered:
.L_overlay_start_0:
0x88: {  	s2 =	sld [smem:$0x3FD9]  }
0x89: {  	s3 =	sld [smem:$0x3FFE];
	_ =	sdelay $0x1  }
0x8a: {  	s1 =	srdreg.scid  }
0x8b: {  	s0 =	sand.u32 $0x1, s1  }
0x8c: {  	s16 =	sshll.u32 s0, $0xA;
	s2 =	sadd.s32 s3, s2  }
0x8d: {  	s2 =	sadd.s32 s2, s16  }
0x8e: {  	[smem:$0x3FBF] =	sst s2  }
0x8f: {  	_ = 	snop  }
0x90: {  	(tm) =	ssettm $0x1  }
0x91: {  	s17 =	sld [smem:$0x3FFB];
	_ =	sdelay $0x3  }
0x92: {  	_ =	strace s17  }
0x93: {  	s2 =	sld [smem:$0x3FFC];
	_ =	sdelay $0x3  }
0x94: {  	_ =	strace s2  }
0x95: {  	s2 =	sld [smem:$0x3FFD];
	_ =	sdelay $0x3  }
0x96: {  	_ =	strace s2  }
0x97: {  	_ =	strace $0x8FFFFFFF  }
0x98: {  	s18 =	sld [smem:$0x3FDB];
	_ =	sdelay $0x1  }
0x99: {  	s19 =	simm.s32 $_scs_section_size  }
0x9a: {  	s4 =	simm.s32 $_size__tile_overlayer_lowered;
	s5 =	simm.s32 $_tile_overlayer_lowered  }
0x9b: {  	s22 =	simm.s32 $0x1BFF;
	s21 =	sshll.u32 s5, $0x1;
	s2 =	sadd.s32 s19, s18  }
0x9c: {  	s6 =	simm.s32 $0x0;
	s20 =	sshll.u32 s4, $0x1;
	s4 =	sadd.s32 s21, s2  }
0x9d: {  	[timem:s6], [sflag:s22] =	dma.local [hbm:s4], s20  }
0x9e: {  	_ =	swait.ge [sflag:s22], s20  }
0x9f: {  	s3 =	ssub.s32 $0x0, s20;
	[sflag:s22] =	ssyncset.done $0x0  }
0xa0: {  	[sflag:s22] =	ssyncadd.s32 s3;
	_ =	sdelay $0x1  }
0xa1: {  	s23 =	simm.s32 $0x1B8B  }
0xa2: {  	_ =	swait.ge [sflag:s23], $0x1  }
0xa3: {  	[sflag:s23] =	ssyncset.done $0x0  }
0xa4: {  	s25 =	simm.s32 $0x1B8E;
	s24 =	sld [smem:$0x3FFE];
	[sflag:s23] =	ssyncadd.s32 $0xFFFFFFFF  }
0xa5: {  	s26 =	simm.s32 $execute0_lowered;
	[smem:$0x3FD2] =	sst s25  }
0xa6: {  	s4 =	sshll.u32 s26, $0x1;
	_ =	strace $0x8000004C;
	[dreg:$0x1] =	wrdreg $0xFFFFFFFF  }
0xa7: {  	s28 =	simm.s32 $_size_execute0_lowered;
	s2 =	sadd.s32 s2, s4;
	[dreg:$0x0] =	wrdreg $0x0  }
0xa8: {  	s4 =	sshll.u32 s28, $0x1;
	[dreg:$0x2] =	wrdreg s2  }
0xa9: {  	[dreg:$0x3] =	wrdreg s4  }
0xaa: {  	[dreg:$0x4] =	wrdreg $0xC0  }
0xab: {  	_ =	task [dreg:s6], $0x5FFFF  }
0xac: {  	[dreg:$0x1] =	wrdreg $0xFFFFFFFF  }
0xad: {  	[dreg:$0x0] =	wrdreg $0x60  }
0xae: {  	[dreg:$0x2] =	wrdreg s24  }
0xaf: {  	[dreg:$0x3] =	wrdreg $0x9  }
0xb0: {  	_ =	task.clear_ibuf [dreg:s6], $0x4FFFF;
	_ =	strace $0x9000004C  }
0xb1: {  	s29 =	simm.s32 $0x9;
	_ =	strace $0x8000004E  }
0xb2: {  	_ =	swait.ge [sflag:s29], $0x1  }
0xb3: {  	[sflag:s29] =	ssyncadd.s32 $0xFFFFFFFF  }
0xb4: {  	_ =	strace $0x9000004E  }
0xb5: {  	_ =	sfence  }
0xb6: {  	s30 =	sld [smem:$0x0];
	_ =	sdelay $0x2  }
0xb7: {  	s31 =	sshll.u32 s1, $0xD;
	s1 =	sshrl.u32 s1, $0x2  }
0xb8: {  	s3 =	sand.u32 $0x4000, s31;
	s1 =	sadd.s32 s1, s30  }
0xb9: {  	s0 =	sor.u32 s3, s0;
	s1 =	sshll.u32 s1, $0x11  }
0xba: {  	s0 =	sor.u32 s1, s0  }
0xbb: {  	s0 =	sadd.s32 $0x8F2B, s0  }
0xbc: {  	[sflag:s0] =	ssyncadd.remote.s32 $0x1  }
0xbd: {  	_ =	sfence.sel $0xFFFF  }
0xbe: {  	[dreg:$0x0] =	wrdreg $0xFFFFFFFF;
	(pc) =	sbr.abs _section_cstart, $3  }
0xbf: {  	[dreg:$0x1] =	wrdreg $0xFFFFFFFF  }
0xc0: {  	_ =	task.clear_ibuf [dreg:s6], $0x2FFFF;
	_ =	strace $0x9FFFFFFF  }
0xc1: {  	(tm) =	ssettm $0x7FFFFFFF  }
tec
execute0_lowered:
.L_overlay_start_1:
0x0: {  	(tag) =	ssettag $0x1  }
0x1: {  	s5 =	rddreg [dreg:$0x0]  }
0x2: {  	s0 =	rddreg [dreg:$0x1];
	s1 =	simm.s32 $0x0;
	s2 =	srdreg.scid  }
0x3: {  	s10 =	simm.s32 $0x380;
	s11 =	simm.s32 $0x100;
	s12 =	simm.s32 $0x180  }
0x4: {  	s13 =	simm.s32 $0x200;
	s14 =	simm.s32 $0x280;
	s15 =	simm.s32 $0x300  }
0x5: {  	s16 =	simm.s32 $0x1;
	s17 =	simm.s32 $0x0;
	[smem:$0x7FF] =	sst s1  }
0x6: {  	s6 =	sand.u32 $0x1, s2;
	s3 =	sadd.s32 $0x17C00, s5;
	s2 =	stileid.u32  }
0x7: {  	s4 =	sadd.s32 $0x2C00, s5;
	s5 =	sadd.s32 $0x263C00, s5;
	s7 =	ssub.s32 $0x2, s6  }
0x8: {  	_ =	strace $0x8000004D;
	s9 =	sshll.u32 s2, $0x1;
	s8 =	sshrl.u32 s7, $0x1  }
0x9: {  	s6 =	sor.u32 s6, s9;
	s9 =	simm.s32 $0x80;
	s7 =	ssub.s32 s7, s8  }
0xa: {  	v0 =	vimm.f32 $0.0e+00;
	s6 =	smul.u32 $0x15, s6;
	s8 =	simm.s32 $0x2;
	s7 =	smax.u32 s7, $0x1  }
.LBB2_1:
0xb: {  	s18 =	simm.s32 $0x0  }
.LBB2_2:
0xc: {  	s19 =	sadd.s32 s6, s18  }
0xd: {  	s20 =	simm.s32 $0x30;
	p0 =	sgt.u32 s19, $0x14F  }
0xe: {  	s20 =	simm.s32 @!p0 $0x0  }
0xf: {  	s20 =	sadd.s32 s19, s20  }
0x10: {  	s20 =	smul.u32 $0x70, s20;
	_ =	sdelay $0x1  }
0x11: {  	s21 =	simm.s32 $0x0;
	s20 =	sadd.s32 s4, s20  }
0x12: {  	[tilespmem:s21], [sflag:$0x2] =	stream.linear.gather [hbm4b:s20+s21], $0x380, $0x38;
	[tilespmem:$0x1380] =	vst v63  }
0x13: {  	_ =	swait.ge [sflag:s8], $0x380  }
0x14: {  	[sflag:s8] =	ssyncset.done $0x0  }
0x15: {  	s20 =	simm.s32 $0x80;
	s21 =	simm.s32 $0x0;
	[sflag:s8] =	ssyncadd.s32 $0xFFFFFC80  }
.LBB2_3:
0x16: {  	p0 =	sne.s32 s20, $0x3F80;
	[tilespmem:s21+$0x380] =	vst v0;
	s22 =	smov.u32 s20;
	s20 =	sadd.s32 $0x80, s20  }
.Ltmp0:
0x17: {  	[tilespmem:s21+$0x390] =	vst v0;
	(pc) =	sbr.rel @p0 .LBB2_3-.Ltmp0, $2  }
0x18: {  	_ =	sdelay $0x2  }
0x19: {  	s21 =	sshra.s32 s22, $0x2  }
0x1a: {  	[tilespmem:s21+$0x380] =	vst v0  }
0x1b: {  	[tilespmem:s21+$0x390] =	vst v0  }
0x1c: {  	[tilespmem:s10], [sflag:$0x1] =	stream.indirect.gather.add.f32 [hbm:s3], $0x20, s1, s9, $0xb8;
	[tilespmem:$0x1380] =	vst v63  }
0x1d: {  	_ = 	snop  }
0x1e: {  	[tilespmem:s10], [sflag:$0x1] =	stream.indirect.gather.add.f32 [hbm:s3], $0x20, s9, s9, $0xb8;
	[tilespmem:$0x1380] =	vst v63  }
0x1f: {  	_ = 	snop  }
0x20: {  	[tilespmem:s10], [sflag:$0x1] =	stream.indirect.gather.add.f32 [hbm:s3], $0x20, s11, s9, $0xb8;
	[tilespmem:$0x1380] =	vst v63  }
0x21: {  	_ = 	snop  }
0x22: {  	[tilespmem:s10], [sflag:$0x1] =	stream.indirect.gather.add.f32 [hbm:s3], $0x20, s12, s9, $0xb8;
	[tilespmem:$0x1380] =	vst v63  }
0x23: {  	_ = 	snop  }
0x24: {  	[tilespmem:s10], [sflag:$0x1] =	stream.indirect.gather.add.f32 [hbm:s3], $0x20, s13, s9, $0xb8;
	[tilespmem:$0x1380] =	vst v63  }
0x25: {  	_ = 	snop  }
0x26: {  	[tilespmem:s10], [sflag:$0x1] =	stream.indirect.gather.add.f32 [hbm:s3], $0x20, s14, s9, $0xb8;
	[tilespmem:$0x1380] =	vst v63  }
0x27: {  	_ = 	snop  }
0x28: {  	[tilespmem:s10], [sflag:$0x1] =	stream.indirect.gather.add.f32 [hbm:s3], $0x20, s15, s9, $0xb8;
	[tilespmem:$0x1380] =	vst v63  }
0x29: {  	_ =	swait.ge [sflag:s16], $0x1000  }
0x2a: {  	[sflag:s16] =	ssyncset.done $0x0  }
0x2b: {  	[sflag:s16] =	ssyncadd.s32 $0xFFFFF000  }
0x2c: {  	_ =	swait.ge [sflag:s16], $0x1000  }
0x2d: {  	[sflag:s16] =	ssyncset.done $0x0  }
0x2e: {  	[sflag:s16] =	ssyncadd.s32 $0xFFFFF000  }
0x2f: {  	_ =	swait.ge [sflag:s16], $0x1000  }
0x30: {  	[sflag:s16] =	ssyncset.done $0x0  }
0x31: {  	[sflag:s16] =	ssyncadd.s32 $0xFFFFF000  }
0x32: {  	_ =	swait.ge [sflag:s16], $0x1000  }
0x33: {  	[sflag:s16] =	ssyncset.done $0x0  }
0x34: {  	[sflag:s16] =	ssyncadd.s32 $0xFFFFF000  }
0x35: {  	_ =	swait.ge [sflag:s16], $0x1000  }
0x36: {  	[sflag:s16] =	ssyncset.done $0x0  }
0x37: {  	[sflag:s16] =	ssyncadd.s32 $0xFFFFF000  }
0x38: {  	_ =	swait.ge [sflag:s16], $0x1000  }
0x39: {  	[sflag:s16] =	ssyncset.done $0x0  }
0x3a: {  	[sflag:s16] =	ssyncadd.s32 $0xFFFFF000  }
0x3b: {  	s18 =	sadd.s32 $0x1, s18;
	_ =	swait.ge [sflag:s16], $0x1000  }
0x3c: {  	s19 =	sshll.u32 s19, $0x9;
	p0 =	sne.s32 s18, $0x15;
	[sflag:s16] =	ssyncset.done $0x0  }
.Ltmp1:
0x3d: {  	s19 =	sadd.s32 s5, s19;
	[sflag:s16] =	ssyncadd.s32 $0xFFFFF000;
	(pc) =	sbr.rel @p0 .LBB2_2-.Ltmp1, $4  }
0x3e: {  	[hbm4b:s19+s1] =	stream.linear.scatter [tilespmem:s10], [sflag:$0x2], $0x1000, $0x38;
	[tilespmem:$0x1380] =	vst v63  }
0x3f: {  	_ =	swait.ge [sflag:s8], $0x1000  }
0x40: {  	[sflag:s8] =	ssyncset.done $0x0  }
0x41: {  	[sflag:s8] =	ssyncadd.s32 $0xFFFFF000  }
0x42: {  	s17 =	sadd.s32 $0x1, s17  }
0x43: {  	p0 =	sne.s32 s17, s7  }
.Ltmp2:
0x44: {  	_ = 	snop;
	(pc) =	sbr.rel @p0 .LBB2_1-.Ltmp2, $1  }
0x45: {  	_ =	sdelay $0x3  }
0x46: {  	_ =	sfence.sel $0x180000  }
0x47: {  	[bflag:$0x0] =	sbarrier.arrive $0xFFFF  }
0x48: {  	p0 =	sne.s32 s2, $0x0;
	_ =	strace $0x9000004D  }
0x49: {  	s0 =	sadd.s32 @!p0 $0x100000, s0;
	[bflag:$0x2] =	sbarrier.arrive $0xFFFF  }
0x4a: {  	[sflag:s0] =	ssyncadd.tile.s32 @!p0 $0x1;
	_ =	shalt  }
.Lfunc_end2:
_tile_overlayer_lowered:
.L_overlay_start_2:
0x4b: {  	(tag) =	ssettag $0x2  }
0x4c: {  	s0 =	rddreg [dreg:$0x0];
	s2 =	stileid.u32  }
0x4d: {  	s1 =	rddreg [dreg:$0x1];
	p0 =	sne.s32 s2, $0x0  }
0x4e: {  	s3 =	rddreg [dreg:$0x2];
	[bflag:$0x3] =	sbarrier.arrive $0xFFFF;
	s2 =	simm.s32 @!p0 $0x1C02  }
0x4f: {  	[timem:s3], [sflag:s2] =	dma.local @!p0 [hbm:s0], s1  }
0x50: {  	s0 =	simm.s32 @!p0 $0x2  }
0x51: {  	_ =	swait.ge @!p0 [sflag:s0], s1  }
0x52: {  	s1 =	ssub.s32 @!p0 $0x0, s1;
	[sflag:s0] =	ssyncset.done @!p0 $0x0  }
0x53: {  	[sflag:s0] =	ssyncadd.s32 @!p0 s1  }
0x54: {  	[bflag:$0x3] =	sbarrier.arrive $0xFFFF  }
0x55: {  	_ =	shalt  }

</sc_bundles>
